<compile_context>
chip_gen: v7x
topology: tpu7x:2x2x1
jax: 0.10.2.dev20260603
libtpu: 0.0.44.dev20260713+nightly
codegen_flags: <defaults>
</compile_context>

<pallas_src>
import dataclasses
import functools
import jax
import jax.numpy as jnp
from jax import lax
from jax.experimental import pallas as pl
from jax.experimental.pallas import tpu as pltpu
from jax.experimental.pallas import tpu_sc as plsc

B = 1024
DIM = 16
QUEUE = 100000
TEMP = 0.07
K = 20
CLASSES = 1000

CHUNK = 2048
NCHUNK = 49
QPAD = CHUNK * NCHUNK
GSZ = 128
GPC = CHUNK // GSZ
NG = QPAD // GSZ

NW = 32
RPW = B // NW
CAP = 32
FLAGCAP = 832
CCAP = 2048
CPAD = CCAP + 16
OPAD = 1024


def _dist_body(x_ref, mem_ref, dist_ref, gmax_ref):
    c = pl.program_id(0)
    x = x_ref[...]
    nrm = jnp.sqrt(jnp.sum(x * x, axis=1, keepdims=True))
    xn = x / jnp.maximum(nrm, 1e-12)
    mem = mem_ref[...]
    scores = lax.dot_general(
        xn, mem, (((1,), (1,)), ((), ())),
        preferred_element_type=jnp.float32)
    gcol = c * CHUNK + lax.broadcasted_iota(jnp.int32, (B, CHUNK), 1)
    scores = jnp.where(gcol < QUEUE, scores, -jnp.inf)
    dist_ref[...] = scores
    scores_t = lax.dot_general(
        mem, xn, (((1,), (1,)), ((), ())),
        preferred_element_type=jnp.float32)
    grow = c * CHUNK + lax.broadcasted_iota(jnp.int32, (CHUNK, B), 0)
    scores_t = jnp.where(grow < QUEUE, scores_t, -jnp.inf)
    gmax_ref[...] = jnp.max(scores_t.reshape(GPC, GSZ, B), axis=1)


def _run_dist(x, memory):
    return pl.pallas_call(
        _dist_body,
        grid=(NCHUNK,),
        in_specs=[
            pl.BlockSpec((B, DIM), lambda c: (0, 0)),
            pl.BlockSpec((CHUNK, DIM), lambda c: (c, 0)),
        ],
        out_specs=[
            pl.BlockSpec((B, CHUNK), lambda c: (0, c)),
            pl.BlockSpec((GPC, B), lambda c: (c, 0)),
        ],
        out_shape=[
            jax.ShapeDtypeStruct((B, QPAD), jnp.float32),
            jax.ShapeDtypeStruct((NG, B), jnp.float32),
        ],
        compiler_params=pltpu.CompilerParams(
            dimension_semantics=("arbitrary",)),
    )(x, memory)


def _thresh_body(g_ref, t_ref):
    def step(_k, carry):
        g, _t = carry
        m = jnp.max(g, axis=0, keepdims=True)
        return jnp.where(g == m, -jnp.inf, g), m

    _, t = lax.fori_loop(
        0, K, step, (g_ref[...], jnp.zeros((1, B), jnp.float32)))
    t_ref[...] = t


def _run_thresh(gmax_t):
    return pl.pallas_call(
        _thresh_body,
        out_shape=jax.ShapeDtypeStruct((1, B), jnp.float32),
    )(gmax_t)


def _sc_refine(dist2, gmax, t, memory_label):
    mesh = plsc.VectorSubcoreMesh(core_axis_name="c", subcore_axis_name="s")
    cp = pltpu.CompilerParams()
    if "needs_layout_passes" in pltpu.CompilerParams.__dataclass_fields__:
        cp = dataclasses.replace(cp, needs_layout_passes=False)

    @functools.partial(
        pl.kernel,
        out_type=jax.ShapeDtypeStruct((B, OPAD), jnp.float32),
        mesh=mesh,
        compiler_params=cp,
        scratch_types=[
            pltpu.VMEM((QUEUE,), jnp.int32),
            pltpu.VMEM((NG,), jnp.float32),
            pltpu.VMEM((FLAGCAP,), jnp.int32),
            pltpu.VMEM((CAP * GSZ,), jnp.float32),
            pltpu.VMEM((CPAD,), jnp.float32),
            pltpu.VMEM((CPAD,), jnp.int32),
            pltpu.VMEM((48,), jnp.float32),
            pltpu.VMEM((48,), jnp.int32),
            pltpu.VMEM((32,), jnp.int32),
            pltpu.VMEM((32,), jnp.float32),
            pltpu.VMEM((OPAD,), jnp.float32),
            pltpu.VMEM((48,), jnp.float32),
            pltpu.SemaphoreType.DMA,
        ],
    )
    def kb(dist_hbm, gmax_hbm, t_hbm, lab_hbm, out_hbm,
           labv, gv, flagv, dbuf, candv, candiv, wv, wiv, wlv, wwv,
           rowv, tv, sem):
        wid = lax.axis_index("s") * 2 + lax.axis_index("c")
        base = wid * RPW
        pltpu.async_copy(lab_hbm, labv, sem).wait()
        pltpu.async_copy(
            t_hbm.at[pl.ds(base, RPW)], tv.at[pl.ds(0, RPW)], sem).wait()
        iota16 = lax.iota(jnp.int32, 16)

        @pl.loop(0, RPW)
        def _row(rl):
            r = base + rl
            pltpu.async_copy(gmax_hbm.at[r], gv, sem).wait()
            t = tv[pl.ds(rl, 16)][0] - 1e-3

            def fbody(j, cur):
                gvj = gv[pl.ds(j * 16, 16)]
                msk = gvj >= t
                ranks = plsc.cumsum(msk.astype(jnp.int32))
                pos = cur + ranks - 1
                ids = j * 16 + iota16
                plsc.store_scatter(flagv, [pos], ids, mask=msk)
                return cur + jnp.sum(msk.astype(jnp.int32))

            nflag = lax.fori_loop(0, NG // 16, fbody, jnp.int32(0))
            nb = (nflag + (CAP - 1)) // CAP

            def bbody(b, ccur):
                ilim = jnp.minimum(nflag - b * CAP, CAP)

                def issue(i, _):
                    g = flagv[pl.ds(b * CAP + i, 16)][0]
                    pltpu.async_copy(
                        dist_hbm.at[r, pl.ds(g * GSZ, GSZ)],
                        dbuf.at[pl.ds(i * GSZ, GSZ)], sem)
                    return 0

                lax.fori_loop(0, ilim, issue, jnp.int32(0))

                def drain(i, _):
                    pltpu.make_async_copy(
                        dist_hbm.at[r, pl.ds(0, GSZ)],
                        dbuf.at[pl.ds(i * GSZ, GSZ)], sem).wait()
                    return 0

                lax.fori_loop(0, ilim, drain, jnp.int32(0))

                def ibody(i, ccur2):
                    colbase = flagv[pl.ds(b * CAP + i, 16)][0] * GSZ

                    def jbody(j2, ccur3):
                        v = dbuf[pl.ds(i * GSZ + j2 * 16, 16)]
                        msk2 = v >= t
                        ranks2 = plsc.cumsum(msk2.astype(jnp.int32))
                        pos2 = jnp.minimum(ccur3 + ranks2 - 1, CCAP - 1)
                        colv = colbase + j2 * 16 + iota16
                        plsc.store_scatter(candv, [pos2], v, mask=msk2)
                        plsc.store_scatter(candiv, [pos2], colv, mask=msk2)
                        return ccur3 + jnp.sum(msk2.astype(jnp.int32))

                    return lax.fori_loop(0, GSZ // 16, jbody, ccur2)

                return lax.fori_loop(0, ilim, ibody, ccur)

            ncand = lax.fori_loop(0, nb, bbody, jnp.int32(0))
            ncand = jnp.minimum(ncand, CCAP)
            candv[pl.ds(ncand, 16)] = jnp.full((16,), -jnp.inf, jnp.float32)
            nv = (ncand + 15) // 16

            for jj in (0, 16, 32):
                wv[pl.ds(jj, 16)] = jnp.full((16,), -jnp.inf, jnp.float32)
                wiv[pl.ds(jj, 16)] = jnp.zeros((16,), jnp.int32)

            def kbody(k, carry):
                def smax(v2, mv):
                    return jnp.maximum(mv, candv[pl.ds(v2 * 16, 16)])

                mv = lax.fori_loop(
                    0, nv, smax, jnp.full((16,), -jnp.inf, jnp.float32))
                m = jnp.max(mv)

                def sfind(v2, p):
                    lv = candv[pl.ds(v2 * 16, 16)]
                    pv = jnp.where(lv == m, v2 * 16 + iota16,
                                   jnp.int32(2 ** 30))
                    return jnp.minimum(p, jnp.min(pv))

                pos = lax.fori_loop(0, nv, sfind, jnp.int32(2 ** 30))
                lane0 = iota16 == 0
                wwin = wv[pl.ds(k, 16)]
                wv[pl.ds(k, 16)] = jnp.where(lane0, m, wwin)
                ci = candiv[pl.ds(pos, 16)][0]
                iwin = wiv[pl.ds(k, 16)]
                wiv[pl.ds(k, 16)] = jnp.where(lane0, ci, iwin)
                cwin = candv[pl.ds(pos, 16)]
                candv[pl.ds(pos, 16)] = jnp.where(
                    lane0, -jnp.inf, cwin)
                return carry

            lax.fori_loop(0, K, kbody, jnp.int32(0))

            for jj in (0, 16):
                iv = wiv[pl.ds(jj, 16)]
                wlv[pl.ds(jj, 16)] = plsc.load_gather(labv, [iv])

            m0 = wv[pl.ds(0, 16)][0]
            e0 = jnp.exp((wv[pl.ds(0, 16)] - m0) * (1.0 / TEMP))
            e1 = jnp.exp((wv[pl.ds(16, 16)] - m0) * (1.0 / TEMP))
            s = jnp.sum(e0) + jnp.sum(e1)
            wwv[pl.ds(0, 16)] = e0 / s
            wwv[pl.ds(16, 16)] = e1 / s

            @pl.loop(0, OPAD, step=16)
            def _(p):
                rowv[pl.ds(p, 16)] = jnp.zeros((16,), jnp.float32)

            lv0 = wlv[pl.ds(0, 16)]
            lv1 = wlv[pl.ds(16, 16)]
            wt0 = wwv[pl.ds(0, 16)]
            wt1 = wwv[pl.ds(16, 16)]
            for j in range(K):
                lbl = lv0[j] if j < 16 else lv1[j - 16]
                wj = wt0[j] if j < 16 else wt1[j - 16]
                rwin = rowv[pl.ds(lbl, 16)]
                rowv[pl.ds(lbl, 16)] = rwin + jnp.where(
                    iota16 == 0, wj, 0.0)

            @pl.loop(0, OPAD, step=16)
            def _(p):
                rowv[pl.ds(p, 16)] = jnp.minimum(
                    rowv[pl.ds(p, 16)] + 1e-5, 1.0)

            pltpu.sync_copy(rowv, out_hbm.at[r])

    return kb(dist2, gmax, t, memory_label)


def kernel(x, memory, memory_label):
    dist, gmax_t = _run_dist(x, memory)
    t = _run_thresh(gmax_t)
    gmax = gmax_t.T
    out = _sc_refine(dist, gmax, t.reshape(B), memory_label)
    return out[:, :CLASSES]

# --- scband reference (transcript-rebuilt; emitter-appended) ---
"""Pipeline reference for scband-momentum-queue-class-17162689315190 (READ-ONLY COPY).

The authoritative reference and input builder live on the scoring server;
editing this copy changes nothing except your own understanding.
"""

import jax, jax.numpy as jnp
import numpy as np
import math

B = 1024
DIM = 16
QUEUE = 100000
TEMP = 0.07
K = 20
CLASSES = 1000

def setup_inputs(seed: int = 0) -> dict:
    key = jax.random.key(seed)
    k1, k2, k3 = jax.random.split(key, 3)
    x = jax.random.normal(k1, (B, DIM), dtype=jnp.float32)
    stdv = 1.0 / math.sqrt(DIM / 3)
    memory = jax.random.uniform(k2, (QUEUE, DIM), dtype=jnp.float32) * (2 * stdv) - stdv
    memory_label = jax.random.randint(k3, (QUEUE,), 0, CLASSES, dtype=jnp.int32)
    return {"x": x, "memory": memory, "memory_label": memory_label}

def reference(x, memory, memory_label):
    # F.normalize(x): L2 normalize rows with eps clamp
    x_norm = x / jnp.maximum(jnp.linalg.norm(x, axis=1, keepdims=True), 1e-12)
    # dist = normalized(x) @ memory^T
    dist = x_norm @ memory.T
    # top-k similarities and indices
    sim_weight, sim_indices = jax.lax.top_k(dist, K)
    # gather labels of nearest neighbors
    sim_labels = memory_label[sim_indices]  # [B, K]
    # softmax over temperature-scaled similarities (test=False branch)
    sim_weight = jax.nn.softmax(sim_weight / TEMP, axis=1)
    # one-hot scatter of labels -> [B, K, CLASSES]
    one_hot_label = jax.nn.one_hot(sim_labels, CLASSES, dtype=jnp.float32)
    # weighted vote over neighbors
    pred_scores = jnp.sum(one_hot_label * sim_weight[..., None], axis=1)
    pred_scores = jnp.minimum(pred_scores + 1e-05, 1.0)
    return pred_scores

if __name__ == "__main__":
    import jax
    _d = setup_inputs()
    print(jax.jit(kernel)(*tuple(_d.values())))

</pallas_src>

<mosaic_0001>
#map = affine_map<(d0, d1) -> (0, 0)>
#map1 = affine_map<(d0, d1) -> (0)>
module attributes {stable_mosaic.version = 14 : i64} {
  func.func @kb(%arg0: i32, %arg1: i32, %arg2: memref<1024x100352xf32, #tpu.memory_space<hbm>>, %arg3: memref<1024x784xf32, #tpu.memory_space<hbm>>, %arg4: memref<1024xf32, #tpu.memory_space<hbm>>, %arg5: memref<100000xi32, #tpu.memory_space<hbm>>, %arg6: memref<1024x1024xf32, #tpu.memory_space<hbm>>, %arg7: memref<100000xi32, #tpu.memory_space<vmem>>, %arg8: memref<784xf32, #tpu.memory_space<vmem>>, %arg9: memref<832xi32, #tpu.memory_space<vmem>>, %arg10: memref<4096xf32, #tpu.memory_space<vmem>>, %arg11: memref<2064xf32, #tpu.memory_space<vmem>>, %arg12: memref<2064xi32, #tpu.memory_space<vmem>>, %arg13: memref<48xf32, #tpu.memory_space<vmem>>, %arg14: memref<48xi32, #tpu.memory_space<vmem>>, %arg15: memref<32xi32, #tpu.memory_space<vmem>>, %arg16: memref<32xf32, #tpu.memory_space<vmem>>, %arg17: memref<1024xf32, #tpu.memory_space<vmem>>, %arg18: memref<48xf32, #tpu.memory_space<vmem>>, %arg19: memref<!tpu.dma_semaphore, #tpu.memory_space<semaphore_mem>>) attributes {dimension_semantics = [#tpu.dimension_semantics<core_parallel>, #tpu.dimension_semantics<subcore_parallel>], iteration_bounds = array<i64: 2, 16>, scalar_prefetch = 0 : i64, scratch_operands = 13 : i64, tpu.core_type = #tpu.core_type<sc_vector_subcore>, window_params = [{transform_indices = #map}, {transform_indices = #map}, {transform_indices = #map1}, {transform_indices = #map1}, {transform_indices = #map}]} {
    %mul3A = arith.constant 2 : i32
    %mul3A_0 = arith.muli %arg1, %mul3A : i32
    %add3A = arith.addi %mul3A_0, %arg0 : i32
    %mul3A_1 = arith.constant 32 : i32
    %mul3A_2 = arith.muli %add3A, %mul3A_1 : i32
    tpu.enqueue_dma source(%arg5 : memref<100000xi32, #tpu.memory_space<hbm>>) target(%arg7 : memref<100000xi32, #tpu.memory_space<vmem>>) target_semaphore(%arg19 : memref<!tpu.dma_semaphore, #tpu.memory_space<semaphore_mem>>)
    tpu.wait_dma2 semaphore(%arg19 : memref<!tpu.dma_semaphore, #tpu.memory_space<semaphore_mem>>) src(%arg5 : memref<100000xi32, #tpu.memory_space<hbm>>) dst(%arg7 : memref<100000xi32, #tpu.memory_space<vmem>>)
    %dma_start3A = arith.constant 0 : i32
    %dma_start3A_3 = tpu.memref_slice %arg18[%dma_start3A] : memref<48xf32, #tpu.memory_space<vmem>> -> memref<32xf32, #tpu.memory_space<vmem>>
    %dma_start3A_4 = tpu.memref_slice %arg4[%mul3A_2] : memref<1024xf32, #tpu.memory_space<hbm>> -> memref<32xf32, #tpu.memory_space<hbm>>
    %dma_start3A_5 = arith.constant 0 : i32
    %dma_start3A_6 = tpu.memref_slice %arg18[%dma_start3A_5] : memref<48xf32, #tpu.memory_space<vmem>> -> memref<32xf32, #tpu.memory_space<vmem>>
    %dma_start3A_7 = tpu.memref_slice %arg4[%mul3A_2] : memref<1024xf32, #tpu.memory_space<hbm>> -> memref<32xf32, #tpu.memory_space<hbm>>
    tpu.enqueue_dma source(%dma_start3A_7 : memref<32xf32, #tpu.memory_space<hbm>>) target(%dma_start3A_6 : memref<32xf32, #tpu.memory_space<vmem>>) target_semaphore(%arg19 : memref<!tpu.dma_semaphore, #tpu.memory_space<semaphore_mem>>)
    %dma_wait3A = arith.constant 0 : i32
    %dma_wait3A_8 = tpu.memref_slice %arg18[%dma_wait3A] : memref<48xf32, #tpu.memory_space<vmem>> -> memref<32xf32, #tpu.memory_space<vmem>>
    %dma_wait3A_9 = tpu.memref_slice %arg4[%mul3A_2] : memref<1024xf32, #tpu.memory_space<hbm>> -> memref<32xf32, #tpu.memory_space<hbm>>
    %dma_wait3A_10 = arith.constant 0 : i32
    %dma_wait3A_11 = tpu.memref_slice %arg18[%dma_wait3A_10] : memref<48xf32, #tpu.memory_space<vmem>> -> memref<32xf32, #tpu.memory_space<vmem>>
    %dma_wait3A_12 = tpu.memref_slice %arg4[%mul3A_2] : memref<1024xf32, #tpu.memory_space<hbm>> -> memref<32xf32, #tpu.memory_space<hbm>>
    tpu.wait_dma2 semaphore(%arg19 : memref<!tpu.dma_semaphore, #tpu.memory_space<semaphore_mem>>) src(%dma_wait3A_12 : memref<32xf32, #tpu.memory_space<hbm>>) dst(%dma_wait3A_11 : memref<32xf32, #tpu.memory_space<vmem>>)
    %iota3A = tpu.iota {dimensions = array<i32: 0>} : vector<16xi32>
    %scan3A = arith.constant 0 : i32
    %scan3A_13 = arith.constant 32 : i32
    %scan3A_14 = arith.addi %scan3A, %scan3A_13 : i32
    %scan3A_15 = arith.constant 1 : i32
    scf.for %scan3A_17 = %scan3A to %scan3A_14 step %scan3A_15  : i32 {
      %mul3A_18 = arith.constant 1 : i32
      %mul3A_19 = arith.muli %scan3A_17, %mul3A_18 : i32
      %add3A_20 = arith.constant 0 : i32
      %add3A_21 = arith.addi %add3A_20, %mul3A_19 : i32
      %add3A_22 = arith.addi %mul3A_2, %add3A_21 : i32
      %dma_start3A_23 = arith.constant 0 : i32
      %dma_start3A_24 = tpu.memref_slice %arg3[%add3A_22, %dma_start3A_23] : memref<1024x784xf32, #tpu.memory_space<hbm>> -> memref<1x784xf32, #tpu.memory_space<hbm>>
      %dma_start3A_25 = tpu.memref_squeeze %dma_start3A_24 : memref<1x784xf32, #tpu.memory_space<hbm>> -> memref<784xf32, #tpu.memory_space<hbm>>
      %dma_start3A_26 = arith.constant 0 : i32
      %dma_start3A_27 = tpu.memref_slice %arg3[%add3A_22, %dma_start3A_26] : memref<1024x784xf32, #tpu.memory_space<hbm>> -> memref<1x784xf32, #tpu.memory_space<hbm>>
      %dma_start3A_28 = tpu.memref_squeeze %dma_start3A_27 : memref<1x784xf32, #tpu.memory_space<hbm>> -> memref<784xf32, #tpu.memory_space<hbm>>
      tpu.enqueue_dma source(%dma_start3A_28 : memref<784xf32, #tpu.memory_space<hbm>>) target(%arg8 : memref<784xf32, #tpu.memory_space<vmem>>) target_semaphore(%arg19 : memref<!tpu.dma_semaphore, #tpu.memory_space<semaphore_mem>>)
      %dma_wait3A_29 = arith.constant 0 : i32
      %dma_wait3A_30 = tpu.memref_slice %arg3[%add3A_22, %dma_wait3A_29] : memref<1024x784xf32, #tpu.memory_space<hbm>> -> memref<1x784xf32, #tpu.memory_space<hbm>>
      %dma_wait3A_31 = tpu.memref_squeeze %dma_wait3A_30 : memref<1x784xf32, #tpu.memory_space<hbm>> -> memref<784xf32, #tpu.memory_space<hbm>>
      %dma_wait3A_32 = arith.constant 0 : i32
      %dma_wait3A_33 = tpu.memref_slice %arg3[%add3A_22, %dma_wait3A_32] : memref<1024x784xf32, #tpu.memory_space<hbm>> -> memref<1x784xf32, #tpu.memory_space<hbm>>
      %dma_wait3A_34 = tpu.memref_squeeze %dma_wait3A_33 : memref<1x784xf32, #tpu.memory_space<hbm>> -> memref<784xf32, #tpu.memory_space<hbm>>
      tpu.wait_dma2 semaphore(%arg19 : memref<!tpu.dma_semaphore, #tpu.memory_space<semaphore_mem>>) src(%dma_wait3A_34 : memref<784xf32, #tpu.memory_space<hbm>>) dst(%arg8 : memref<784xf32, #tpu.memory_space<vmem>>)
      %get3A = arith.index_cast %add3A_21 : i32 to index
      %get3A_35 = tpu.vector_load %arg18[%get3A] {strides = array<i32>} : memref<48xf32, #tpu.memory_space<vmem>>, vector<16xf32>,
      %slice3A = vector.extract_strided_slice %get3A_35 {offsets = [0], sizes = [1], strides = [1]} : vector<16xf32> to vector<1xf32>
      %squeeze3A = vector.extract %slice3A[0] : f32 from vector<1xf32>
      %sub3A = arith.constant 1.000000e-03 : f32
      %sub3A_36 = arith.subf %squeeze3A, %sub3A : f32
      %scan3A_37 = arith.constant 0 : i32
      %scan3A_38 = arith.constant 0 : i32
      %scan3A_39 = arith.constant 49 : i32
      %scan3A_40 = arith.addi %scan3A_38, %scan3A_39 : i32
      %scan3A_41 = arith.constant 1 : i32
      %scan3A_42 = scf.for %scan3A_514 = %scan3A_38 to %scan3A_40 step %scan3A_41 iter_args(%scan3A_515 = %scan3A_37) -> (i32)  : i32 {
        %mul3A_516 = arith.constant 16 : i32
        %mul3A_517 = arith.muli %scan3A_514, %mul3A_516 : i32
        %get3A_518 = arith.index_cast %mul3A_517 : i32 to index
        %get3A_519 = tpu.vector_load %arg8[%get3A_518] {strides = array<i32>} : memref<784xf32, #tpu.memory_space<vmem>>, vector<16xf32>,
        %ge3A = vector.broadcast %sub3A_36 : f32 to vector<16xf32>
        %ge3A_520 = arith.cmpf oge, %get3A_519, %ge3A : vector<16xf32>
        %convert_element_type3A = arith.extui %ge3A_520 : vector<16xi1> to vector<16xi32>
        %broadcast_in_dim3A_521 = arith.constant true
        %broadcast_in_dim3A_522 = vector.broadcast %broadcast_in_dim3A_521 : i1 to vector<16xi1>
        %masked_cumsum3A = tpu.scan <sum>, %convert_element_type3A masked %broadcast_in_dim3A_522 : vector<16xi32>, vector<16xi1> -> vector<16xi32>
        %add3A_523 = vector.broadcast %scan3A_515 : i32 to vector<16xi32>
        %add3A_524 = arith.addi %add3A_523, %masked_cumsum3A : vector<16xi32>
        %sub3A_525 = arith.constant 1 : i32
        %sub3A_526 = vector.broadcast %sub3A_525 : i32 to vector<16xi32>
        %sub3A_527 = arith.subi %add3A_524, %sub3A_526 : vector<16xi32>
        %mul3A_528 = arith.constant 16 : i32
        %mul3A_529 = arith.muli %scan3A_514, %mul3A_528 : i32
        %add3A_530 = vector.broadcast %mul3A_529 : i32 to vector<16xi32>
        %add3A_531 = arith.addi %add3A_530, %iota3A : vector<16xi32>
        tpu.vector_store_idx %arg9[%sub3A_527], %add3A_531 masked %ge3A_520 : memref<832xi32, #tpu.memory_space<vmem>>[vector<16xi32>], vector<16xi32>, vector<16xi1>
        %convert_element_type3A_532 = arith.extui %ge3A_520 : vector<16xi1> to vector<16xi32>
        %reduce_sum3A_533 = arith.constant true
        %reduce_sum3A_534 = vector.broadcast %reduce_sum3A_533 : i1 to vector<16xi1>
        %reduce_sum3A_535 = tpu.scan <sum>, %convert_element_type3A_532 masked %reduce_sum3A_534 : vector<16xi32>, vector<16xi1> -> vector<16xi32>
        %reduce_sum3A_536 = vector.extract %reduce_sum3A_535[15] : i32 from vector<16xi32>
        %add3A_537 = arith.addi %scan3A_515, %reduce_sum3A_536 : i32
        scf.yield %add3A_537 : i32
      }
      %scan3A_43 = arith.constant 49 : i32
      %add3A_44 = arith.constant 31 : i32
      %add3A_45 = arith.addi %scan3A_42, %add3A_44 : i32
      %jit3A = arith.constant 32 : i32
      %div3A = arith.divsi %add3A_45, %jit3A : i32
      %sign3A = arith.constant 0 : i32
      %sign3A_46 = arith.cmpi sgt, %add3A_45, %sign3A : i32
      %sign3A_47 = arith.extui %sign3A_46 : i1 to i32
      %sign3A_48 = arith.constant 0 : i32
      %sign3A_49 = arith.cmpi slt, %add3A_45, %sign3A_48 : i32
      %sign3A_50 = arith.extui %sign3A_49 : i1 to i32
      %sign3A_51 = arith.subi %sign3A_47, %sign3A_50 : i32
      %sign3A_52 = arith.constant 0 : i32
      %sign3A_53 = arith.cmpi sgt, %jit3A, %sign3A_52 : i32
      %sign3A_54 = arith.extui %sign3A_53 : i1 to i32
      %sign3A_55 = arith.constant 0 : i32
      %sign3A_56 = arith.cmpi slt, %jit3A, %sign3A_55 : i32
      %sign3A_57 = arith.extui %sign3A_56 : i1 to i32
      %sign3A_58 = arith.subi %sign3A_54, %sign3A_57 : i32
      %ne3A = arith.cmpi ne, %sign3A_51, %sign3A_58 : i32
      %rem3A = arith.remsi %add3A_45, %jit3A : i32
      %ne3A_59 = arith.constant 0 : i32
      %ne3A_60 = arith.cmpi ne, %rem3A, %ne3A_59 : i32
      %and3A = arith.andi %ne3A, %ne3A_60 : i1
      %sub3A_61 = arith.constant 1 : i32
      %sub3A_62 = arith.subi %div3A, %sub3A_61 : i32
      %select_n3A = arith.select %and3A, %sub3A_62, %div3A : i32
      %while3A = arith.constant 0 : i32
      %while3A_63 = arith.constant 0 : i32
      %while3A_64 = arith.subi %select_n3A, %while3A : i32
      %while3A_65 = arith.addi %while3A, %while3A_64 : i32
      %while3A_66 = arith.constant 1 : i32
      %while3A_67 = arith.divsi %while3A_64, %while3A_66 : i32
      %while3A_68 = arith.muli %while3A_67, %while3A_66 : i32
      %while3A_69 = arith.addi %while3A, %while3A_68 : i32
      %while3A_70 = arith.constant 1 : i32
      %while3A_71 = scf.for %while3A_514 = %while3A to %while3A_69 step %while3A_70 iter_args(%while3A_515 = %while3A_63) -> (i32)  : i32 {
        %mul3A_516 = arith.constant 32 : i32
        %mul3A_517 = arith.muli %while3A_514, %mul3A_516 : i32
        %sub3A_518 = arith.subi %scan3A_42, %mul3A_517 : i32
        %min3A_519 = arith.constant 32 : i32
        %min3A_520 = arith.minsi %sub3A_518, %min3A_519 : i32
        %while3A_521 = arith.constant 0 : i32
        %while3A_522 = arith.constant 0 : i32
        %while3A_523 = arith.subi %min3A_520, %while3A_521 : i32
        %while3A_524 = arith.addi %while3A_521, %while3A_523 : i32
        %while3A_525 = arith.constant 1 : i32
        %while3A_526 = arith.divsi %while3A_523, %while3A_525 : i32
        %while3A_527 = arith.muli %while3A_526, %while3A_525 : i32
        %while3A_528 = arith.addi %while3A_521, %while3A_527 : i32
        %while3A_529 = arith.constant 1 : i32
        %while3A_530 = scf.for %while3A_556 = %while3A_521 to %while3A_528 step %while3A_529 iter_args(%while3A_557 = %while3A_522) -> (i32)  : i32 {
          %mul3A_558 = arith.constant 32 : i32
          %mul3A_559 = arith.muli %while3A_514, %mul3A_558 : i32
          %add3A_560 = arith.addi %mul3A_559, %while3A_556 : i32
          %get3A_561 = arith.index_cast %add3A_560 : i32 to index
          %get3A_562 = tpu.vector_load %arg9[%get3A_561] {strides = array<i32>} : memref<832xi32, #tpu.memory_space<vmem>>, vector<16xi32>,
          %slice3A_563 = vector.extract_strided_slice %get3A_562 {offsets = [0], sizes = [1], strides = [1]} : vector<16xi32> to vector<1xi32>
          %squeeze3A_564 = vector.extract %slice3A_563[0] : i32 from vector<1xi32>
          %mul3A_565 = arith.constant 128 : i32
          %mul3A_566 = arith.muli %squeeze3A_564, %mul3A_565 : i32
          %mul3A_567 = arith.constant 128 : i32
          %mul3A_568 = arith.muli %while3A_556, %mul3A_567 : i32
          %dma_start3A_569 = tpu.memref_slice %arg10[%mul3A_568] : memref<4096xf32, #tpu.memory_space<vmem>> -> memref<128xf32, #tpu.memory_space<vmem>>
          %dma_start3A_570 = tpu.memref_slice %arg2[%add3A_22, %mul3A_566] : memref<1024x100352xf32, #tpu.memory_space<hbm>> -> memref<1x128xf32, #tpu.memory_space<hbm>>
          %dma_start3A_571 = tpu.memref_squeeze %dma_start3A_570 : memref<1x128xf32, #tpu.memory_space<hbm>> -> memref<128xf32, #tpu.memory_space<hbm>>
          %dma_start3A_572 = tpu.memref_slice %arg10[%mul3A_568] : memref<4096xf32, #tpu.memory_space<vmem>> -> memref<128xf32, #tpu.memory_space<vmem>>
          %dma_start3A_573 = tpu.memref_slice %arg2[%add3A_22, %mul3A_566] : memref<1024x100352xf32, #tpu.memory_space<hbm>> -> memref<1x128xf32, #tpu.memory_space<hbm>>
          %dma_start3A_574 = tpu.memref_squeeze %dma_start3A_573 : memref<1x128xf32, #tpu.memory_space<hbm>> -> memref<128xf32, #tpu.memory_space<hbm>>
          tpu.enqueue_dma source(%dma_start3A_574 : memref<128xf32, #tpu.memory_space<hbm>>) target(%dma_start3A_572 : memref<128xf32, #tpu.memory_space<vmem>>) target_semaphore(%arg19 : memref<!tpu.dma_semaphore, #tpu.memory_space<semaphore_mem>>)
          %while3A_575 = arith.constant 0 : i32
          scf.yield %while3A_575 : i32
        }
        %while3A_531 = arith.constant 1 : i32
        %while3A_532 = scf.for %while3A_556 = %while3A_528 to %while3A_524 step %while3A_531 iter_args(%while3A_557 = %while3A_530) -> (i32)  : i32 {
          %mul3A_558 = arith.constant 32 : i32
          %mul3A_559 = arith.muli %while3A_514, %mul3A_558 : i32
          %add3A_560 = arith.addi %mul3A_559, %while3A_556 : i32
          %get3A_561 = arith.index_cast %add3A_560 : i32 to index
          %get3A_562 = tpu.vector_load %arg9[%get3A_561] {strides = array<i32>} : memref<832xi32, #tpu.memory_space<vmem>>, vector<16xi32>,
          %slice3A_563 = vector.extract_strided_slice %get3A_562 {offsets = [0], sizes = [1], strides = [1]} : vector<16xi32> to vector<1xi32>
          %squeeze3A_564 = vector.extract %slice3A_563[0] : i32 from vector<1xi32>
          %mul3A_565 = arith.constant 128 : i32
          %mul3A_566 = arith.muli %squeeze3A_564, %mul3A_565 : i32
          %mul3A_567 = arith.constant 128 : i32
          %mul3A_568 = arith.muli %while3A_556, %mul3A_567 : i32
          %dma_start3A_569 = tpu.memref_slice %arg10[%mul3A_568] : memref<4096xf32, #tpu.memory_space<vmem>> -> memref<128xf32, #tpu.memory_space<vmem>>
          %dma_start3A_570 = tpu.memref_slice %arg2[%add3A_22, %mul3A_566] : memref<1024x100352xf32, #tpu.memory_space<hbm>> -> memref<1x128xf32, #tpu.memory_space<hbm>>
          %dma_start3A_571 = tpu.memref_squeeze %dma_start3A_570 : memref<1x128xf32, #tpu.memory_space<hbm>> -> memref<128xf32, #tpu.memory_space<hbm>>
          %dma_start3A_572 = tpu.memref_slice %arg10[%mul3A_568] : memref<4096xf32, #tpu.memory_space<vmem>> -> memref<128xf32, #tpu.memory_space<vmem>>
          %dma_start3A_573 = tpu.memref_slice %arg2[%add3A_22, %mul3A_566] : memref<1024x100352xf32, #tpu.memory_space<hbm>> -> memref<1x128xf32, #tpu.memory_space<hbm>>
          %dma_start3A_574 = tpu.memref_squeeze %dma_start3A_573 : memref<1x128xf32, #tpu.memory_space<hbm>> -> memref<128xf32, #tpu.memory_space<hbm>>
          tpu.enqueue_dma source(%dma_start3A_574 : memref<128xf32, #tpu.memory_space<hbm>>) target(%dma_start3A_572 : memref<128xf32, #tpu.memory_space<vmem>>) target_semaphore(%arg19 : memref<!tpu.dma_semaphore, #tpu.memory_space<semaphore_mem>>)
          %while3A_575 = arith.constant 0 : i32
          scf.yield %while3A_575 : i32
        }
        %while3A_533 = arith.constant 0 : i32
        %while3A_534 = arith.constant 0 : i32
        %while3A_535 = arith.subi %min3A_520, %while3A_533 : i32
        %while3A_536 = arith.addi %while3A_533, %while3A_535 : i32
        %while3A_537 = arith.constant 1 : i32
        %while3A_538 = arith.divsi %while3A_535, %while3A_537 : i32
        %while3A_539 = arith.muli %while3A_538, %while3A_537 : i32
        %while3A_540 = arith.addi %while3A_533, %while3A_539 : i32
        %while3A_541 = arith.constant 1 : i32
        %while3A_542 = scf.for %while3A_556 = %while3A_533 to %while3A_540 step %while3A_541 iter_args(%while3A_557 = %while3A_534) -> (i32)  : i32 {
          %mul3A_558 = arith.constant 128 : i32
          %mul3A_559 = arith.muli %while3A_556, %mul3A_558 : i32
          %dma_wait3A_560 = tpu.memref_slice %arg10[%mul3A_559] : memref<4096xf32, #tpu.memory_space<vmem>> -> memref<128xf32, #tpu.memory_space<vmem>>
          %dma_wait3A_561 = arith.constant 0 : i32
          %dma_wait3A_562 = tpu.memref_slice %arg2[%add3A_22, %dma_wait3A_561] : memref<1024x100352xf32, #tpu.memory_space<hbm>> -> memref<1x128xf32, #tpu.memory_space<hbm>>
          %dma_wait3A_563 = tpu.memref_squeeze %dma_wait3A_562 : memref<1x128xf32, #tpu.memory_space<hbm>> -> memref<128xf32, #tpu.memory_space<hbm>>
          %dma_wait3A_564 = tpu.memref_slice %arg10[%mul3A_559] : memref<4096xf32, #tpu.memory_space<vmem>> -> memref<128xf32, #tpu.memory_space<vmem>>
          %dma_wait3A_565 = arith.constant 0 : i32
          %dma_wait3A_566 = tpu.memref_slice %arg2[%add3A_22, %dma_wait3A_565] : memref<1024x100352xf32, #tpu.memory_space<hbm>> -> memref<1x128xf32, #tpu.memory_space<hbm>>
          %dma_wait3A_567 = tpu.memref_squeeze %dma_wait3A_566 : memref<1x128xf32, #tpu.memory_space<hbm>> -> memref<128xf32, #tpu.memory_space<hbm>>
          tpu.wait_dma2 semaphore(%arg19 : memref<!tpu.dma_semaphore, #tpu.memory_space<semaphore_mem>>) src(%dma_wait3A_567 : memref<128xf32, #tpu.memory_space<hbm>>) dst(%dma_wait3A_564 : memref<128xf32, #tpu.memory_space<vmem>>)
          %while3A_568 = arith.constant 0 : i32
          scf.yield %while3A_568 : i32
        }
        %while3A_543 = arith.constant 1 : i32
        %while3A_544 = scf.for %while3A_556 = %while3A_540 to %while3A_536 step %while3A_543 iter_args(%while3A_557 = %while3A_542) -> (i32)  : i32 {
          %mul3A_558 = arith.constant 128 : i32
          %mul3A_559 = arith.muli %while3A_556, %mul3A_558 : i32
          %dma_wait3A_560 = tpu.memref_slice %arg10[%mul3A_559] : memref<4096xf32, #tpu.memory_space<vmem>> -> memref<128xf32, #tpu.memory_space<vmem>>
          %dma_wait3A_561 = arith.constant 0 : i32
          %dma_wait3A_562 = tpu.memref_slice %arg2[%add3A_22, %dma_wait3A_561] : memref<1024x100352xf32, #tpu.memory_space<hbm>> -> memref<1x128xf32, #tpu.memory_space<hbm>>
          %dma_wait3A_563 = tpu.memref_squeeze %dma_wait3A_562 : memref<1x128xf32, #tpu.memory_space<hbm>> -> memref<128xf32, #tpu.memory_space<hbm>>
          %dma_wait3A_564 = tpu.memref_slice %arg10[%mul3A_559] : memref<4096xf32, #tpu.memory_space<vmem>> -> memref<128xf32, #tpu.memory_space<vmem>>
          %dma_wait3A_565 = arith.constant 0 : i32
          %dma_wait3A_566 = tpu.memref_slice %arg2[%add3A_22, %dma_wait3A_565] : memref<1024x100352xf32, #tpu.memory_space<hbm>> -> memref<1x128xf32, #tpu.memory_space<hbm>>
          %dma_wait3A_567 = tpu.memref_squeeze %dma_wait3A_566 : memref<1x128xf32, #tpu.memory_space<hbm>> -> memref<128xf32, #tpu.memory_space<hbm>>
          tpu.wait_dma2 semaphore(%arg19 : memref<!tpu.dma_semaphore, #tpu.memory_space<semaphore_mem>>) src(%dma_wait3A_567 : memref<128xf32, #tpu.memory_space<hbm>>) dst(%dma_wait3A_564 : memref<128xf32, #tpu.memory_space<vmem>>)
          %while3A_568 = arith.constant 0 : i32
          scf.yield %while3A_568 : i32
        }
        %while3A_545 = arith.constant 0 : i32
        %while3A_546 = arith.subi %min3A_520, %while3A_545 : i32
        %while3A_547 = arith.addi %while3A_545, %while3A_546 : i32
        %while3A_548 = arith.constant 1 : i32
        %while3A_549 = arith.divsi %while3A_546, %while3A_548 : i32
        %while3A_550 = arith.muli %while3A_549, %while3A_548 : i32
        %while3A_551 = arith.addi %while3A_545, %while3A_550 : i32
        %while3A_552 = arith.constant 1 : i32
        %while3A_553 = scf.for %while3A_556 = %while3A_545 to %while3A_551 step %while3A_552 iter_args(%while3A_557 = %while3A_515) -> (i32)  : i32 {
          %mul3A_558 = arith.constant 32 : i32
          %mul3A_559 = arith.muli %while3A_514, %mul3A_558 : i32
          %add3A_560 = arith.addi %mul3A_559, %while3A_556 : i32
          %get3A_561 = arith.index_cast %add3A_560 : i32 to index
          %get3A_562 = tpu.vector_load %arg9[%get3A_561] {strides = array<i32>} : memref<832xi32, #tpu.memory_space<vmem>>, vector<16xi32>,
          %slice3A_563 = vector.extract_strided_slice %get3A_562 {offsets = [0], sizes = [1], strides = [1]} : vector<16xi32> to vector<1xi32>
          %squeeze3A_564 = vector.extract %slice3A_563[0] : i32 from vector<1xi32>
          %mul3A_565 = arith.constant 128 : i32
          %mul3A_566 = arith.muli %squeeze3A_564, %mul3A_565 : i32
          %scan3A_567 = arith.constant 0 : i32
          %scan3A_568 = arith.constant 8 : i32
          %scan3A_569 = arith.addi %scan3A_567, %scan3A_568 : i32
          %scan3A_570 = arith.constant 1 : i32
          %scan3A_571 = scf.for %scan3A_573 = %scan3A_567 to %scan3A_569 step %scan3A_570 iter_args(%scan3A_574 = %while3A_557) -> (i32)  : i32 {
            %mul3A_575 = arith.constant 128 : i32
            %mul3A_576 = arith.muli %while3A_556, %mul3A_575 : i32
            %mul3A_577 = arith.constant 16 : i32
            %mul3A_578 = arith.muli %scan3A_573, %mul3A_577 : i32
            %add3A_579 = arith.addi %mul3A_576, %mul3A_578 : i32
            %get3A_580 = arith.index_cast %add3A_579 : i32 to index
            %get3A_581 = tpu.vector_load %arg10[%get3A_580] {strides = array<i32>} : memref<4096xf32, #tpu.memory_space<vmem>>, vector<16xf32>,
            %ge3A = vector.broadcast %sub3A_36 : f32 to vector<16xf32>
            %ge3A_582 = arith.cmpf oge, %get3A_581, %ge3A : vector<16xf32>
            %convert_element_type3A = arith.extui %ge3A_582 : vector<16xi1> to vector<16xi32>
            %broadcast_in_dim3A_583 = arith.constant true
            %broadcast_in_dim3A_584 = vector.broadcast %broadcast_in_dim3A_583 : i1 to vector<16xi1>
            %masked_cumsum3A = tpu.scan <sum>, %convert_element_type3A masked %broadcast_in_dim3A_584 : vector<16xi32>, vector<16xi1> -> vector<16xi32>
            %add3A_585 = vector.broadcast %scan3A_574 : i32 to vector<16xi32>
            %add3A_586 = arith.addi %add3A_585, %masked_cumsum3A : vector<16xi32>
            %sub3A_587 = arith.constant 1 : i32
            %sub3A_588 = vector.broadcast %sub3A_587 : i32 to vector<16xi32>
            %sub3A_589 = arith.subi %add3A_586, %sub3A_588 : vector<16xi32>
            %min3A_590 = arith.constant 2047 : i32
            %min3A_591 = vector.broadcast %min3A_590 : i32 to vector<16xi32>
            %min3A_592 = arith.minsi %sub3A_589, %min3A_591 : vector<16xi32>
            %mul3A_593 = arith.constant 16 : i32
            %mul3A_594 = arith.muli %scan3A_573, %mul3A_593 : i32
            %add3A_595 = arith.addi %mul3A_566, %mul3A_594 : i32
            %add3A_596 = vector.broadcast %add3A_595 : i32 to vector<16xi32>
            %add3A_597 = arith.addi %add3A_596, %iota3A : vector<16xi32>
            tpu.vector_store_idx %arg11[%min3A_592], %get3A_581 masked %ge3A_582 : memref<2064xf32, #tpu.memory_space<vmem>>[vector<16xi32>], vector<16xf32>, vector<16xi1>
            tpu.vector_store_idx %arg12[%min3A_592], %add3A_597 masked %ge3A_582 : memref<2064xi32, #tpu.memory_space<vmem>>[vector<16xi32>], vector<16xi32>, vector<16xi1>
            %convert_element_type3A_598 = arith.extui %ge3A_582 : vector<16xi1> to vector<16xi32>
            %reduce_sum3A_599 = arith.constant true
            %reduce_sum3A_600 = vector.broadcast %reduce_sum3A_599 : i1 to vector<16xi1>
            %reduce_sum3A_601 = tpu.scan <sum>, %convert_element_type3A_598 masked %reduce_sum3A_600 : vector<16xi32>, vector<16xi1> -> vector<16xi32>
            %reduce_sum3A_602 = vector.extract %reduce_sum3A_601[15] : i32 from vector<16xi32>
            %add3A_603 = arith.addi %scan3A_574, %reduce_sum3A_602 : i32
            scf.yield %add3A_603 : i32
          }
          %scan3A_572 = arith.constant 8 : i32
          scf.yield %scan3A_571 : i32
        }
        %while3A_554 = arith.constant 1 : i32
        %while3A_555 = scf.for %while3A_556 = %while3A_551 to %while3A_547 step %while3A_554 iter_args(%while3A_557 = %while3A_553) -> (i32)  : i32 {
          %mul3A_558 = arith.constant 32 : i32
          %mul3A_559 = arith.muli %while3A_514, %mul3A_558 : i32
          %add3A_560 = arith.addi %mul3A_559, %while3A_556 : i32
          %get3A_561 = arith.index_cast %add3A_560 : i32 to index
          %get3A_562 = tpu.vector_load %arg9[%get3A_561] {strides = array<i32>} : memref<832xi32, #tpu.memory_space<vmem>>, vector<16xi32>,
          %slice3A_563 = vector.extract_strided_slice %get3A_562 {offsets = [0], sizes = [1], strides = [1]} : vector<16xi32> to vector<1xi32>
          %squeeze3A_564 = vector.extract %slice3A_563[0] : i32 from vector<1xi32>
          %mul3A_565 = arith.constant 128 : i32
          %mul3A_566 = arith.muli %squeeze3A_564, %mul3A_565 : i32
          %scan3A_567 = arith.constant 0 : i32
          %scan3A_568 = arith.constant 8 : i32
          %scan3A_569 = arith.addi %scan3A_567, %scan3A_568 : i32
          %scan3A_570 = arith.constant 1 : i32
          %scan3A_571 = scf.for %scan3A_573 = %scan3A_567 to %scan3A_569 step %scan3A_570 iter_args(%scan3A_574 = %while3A_557) -> (i32)  : i32 {
            %mul3A_575 = arith.constant 128 : i32
            %mul3A_576 = arith.muli %while3A_556, %mul3A_575 : i32
            %mul3A_577 = arith.constant 16 : i32
            %mul3A_578 = arith.muli %scan3A_573, %mul3A_577 : i32
            %add3A_579 = arith.addi %mul3A_576, %mul3A_578 : i32
            %get3A_580 = arith.index_cast %add3A_579 : i32 to index
            %get3A_581 = tpu.vector_load %arg10[%get3A_580] {strides = array<i32>} : memref<4096xf32, #tpu.memory_space<vmem>>, vector<16xf32>,
            %ge3A = vector.broadcast %sub3A_36 : f32 to vector<16xf32>
            %ge3A_582 = arith.cmpf oge, %get3A_581, %ge3A : vector<16xf32>
            %convert_element_type3A = arith.extui %ge3A_582 : vector<16xi1> to vector<16xi32>
            %broadcast_in_dim3A_583 = arith.constant true
            %broadcast_in_dim3A_584 = vector.broadcast %broadcast_in_dim3A_583 : i1 to vector<16xi1>
            %masked_cumsum3A = tpu.scan <sum>, %convert_element_type3A masked %broadcast_in_dim3A_584 : vector<16xi32>, vector<16xi1> -> vector<16xi32>
            %add3A_585 = vector.broadcast %scan3A_574 : i32 to vector<16xi32>
            %add3A_586 = arith.addi %add3A_585, %masked_cumsum3A : vector<16xi32>
            %sub3A_587 = arith.constant 1 : i32
            %sub3A_588 = vector.broadcast %sub3A_587 : i32 to vector<16xi32>
            %sub3A_589 = arith.subi %add3A_586, %sub3A_588 : vector<16xi32>
            %min3A_590 = arith.constant 2047 : i32
            %min3A_591 = vector.broadcast %min3A_590 : i32 to vector<16xi32>
            %min3A_592 = arith.minsi %sub3A_589, %min3A_591 : vector<16xi32>
            %mul3A_593 = arith.constant 16 : i32
            %mul3A_594 = arith.muli %scan3A_573, %mul3A_593 : i32
            %add3A_595 = arith.addi %mul3A_566, %mul3A_594 : i32
            %add3A_596 = vector.broadcast %add3A_595 : i32 to vector<16xi32>
            %add3A_597 = arith.addi %add3A_596, %iota3A : vector<16xi32>
            tpu.vector_store_idx %arg11[%min3A_592], %get3A_581 masked %ge3A_582 : memref<2064xf32, #tpu.memory_space<vmem>>[vector<16xi32>], vector<16xf32>, vector<16xi1>
            tpu.vector_store_idx %arg12[%min3A_592], %add3A_597 masked %ge3A_582 : memref<2064xi32, #tpu.memory_space<vmem>>[vector<16xi32>], vector<16xi32>, vector<16xi1>
            %convert_element_type3A_598 = arith.extui %ge3A_582 : vector<16xi1> to vector<16xi32>
            %reduce_sum3A_599 = arith.constant true
            %reduce_sum3A_600 = vector.broadcast %reduce_sum3A_599 : i1 to vector<16xi1>
            %reduce_sum3A_601 = tpu.scan <sum>, %convert_element_type3A_598 masked %reduce_sum3A_600 : vector<16xi32>, vector<16xi1> -> vector<16xi32>
            %reduce_sum3A_602 = vector.extract %reduce_sum3A_601[15] : i32 from vector<16xi32>
            %add3A_603 = arith.addi %scan3A_574, %reduce_sum3A_602 : i32
            scf.yield %add3A_603 : i32
          }
          %scan3A_572 = arith.constant 8 : i32
          scf.yield %scan3A_571 : i32
        }
        scf.yield %while3A_555 : i32
      }
      %while3A_72 = arith.constant 1 : i32
      %while3A_73 = scf.for %while3A_514 = %while3A_69 to %while3A_65 step %while3A_72 iter_args(%while3A_515 = %while3A_71) -> (i32)  : i32 {
        %mul3A_516 = arith.constant 32 : i32
        %mul3A_517 = arith.muli %while3A_514, %mul3A_516 : i32
        %sub3A_518 = arith.subi %scan3A_42, %mul3A_517 : i32
        %min3A_519 = arith.constant 32 : i32
        %min3A_520 = arith.minsi %sub3A_518, %min3A_519 : i32
        %while3A_521 = arith.constant 0 : i32
        %while3A_522 = arith.constant 0 : i32
        %while3A_523 = arith.subi %min3A_520, %while3A_521 : i32
        %while3A_524 = arith.addi %while3A_521, %while3A_523 : i32
        %while3A_525 = arith.constant 1 : i32
        %while3A_526 = arith.divsi %while3A_523, %while3A_525 : i32
        %while3A_527 = arith.muli %while3A_526, %while3A_525 : i32
        %while3A_528 = arith.addi %while3A_521, %while3A_527 : i32
        %while3A_529 = arith.constant 1 : i32
        %while3A_530 = scf.for %while3A_556 = %while3A_521 to %while3A_528 step %while3A_529 iter_args(%while3A_557 = %while3A_522) -> (i32)  : i32 {
          %mul3A_558 = arith.constant 32 : i32
          %mul3A_559 = arith.muli %while3A_514, %mul3A_558 : i32
          %add3A_560 = arith.addi %mul3A_559, %while3A_556 : i32
          %get3A_561 = arith.index_cast %add3A_560 : i32 to index
          %get3A_562 = tpu.vector_load %arg9[%get3A_561] {strides = array<i32>} : memref<832xi32, #tpu.memory_space<vmem>>, vector<16xi32>,
          %slice3A_563 = vector.extract_strided_slice %get3A_562 {offsets = [0], sizes = [1], strides = [1]} : vector<16xi32> to vector<1xi32>
          %squeeze3A_564 = vector.extract %slice3A_563[0] : i32 from vector<1xi32>
          %mul3A_565 = arith.constant 128 : i32
          %mul3A_566 = arith.muli %squeeze3A_564, %mul3A_565 : i32
          %mul3A_567 = arith.constant 128 : i32
          %mul3A_568 = arith.muli %while3A_556, %mul3A_567 : i32
          %dma_start3A_569 = tpu.memref_slice %arg10[%mul3A_568] : memref<4096xf32, #tpu.memory_space<vmem>> -> memref<128xf32, #tpu.memory_space<vmem>>
          %dma_start3A_570 = tpu.memref_slice %arg2[%add3A_22, %mul3A_566] : memref<1024x100352xf32, #tpu.memory_space<hbm>> -> memref<1x128xf32, #tpu.memory_space<hbm>>
          %dma_start3A_571 = tpu.memref_squeeze %dma_start3A_570 : memref<1x128xf32, #tpu.memory_space<hbm>> -> memref<128xf32, #tpu.memory_space<hbm>>
          %dma_start3A_572 = tpu.memref_slice %arg10[%mul3A_568] : memref<4096xf32, #tpu.memory_space<vmem>> -> memref<128xf32, #tpu.memory_space<vmem>>
          %dma_start3A_573 = tpu.memref_slice %arg2[%add3A_22, %mul3A_566] : memref<1024x100352xf32, #tpu.memory_space<hbm>> -> memref<1x128xf32, #tpu.memory_space<hbm>>
          %dma_start3A_574 = tpu.memref_squeeze %dma_start3A_573 : memref<1x128xf32, #tpu.memory_space<hbm>> -> memref<128xf32, #tpu.memory_space<hbm>>
          tpu.enqueue_dma source(%dma_start3A_574 : memref<128xf32, #tpu.memory_space<hbm>>) target(%dma_start3A_572 : memref<128xf32, #tpu.memory_space<vmem>>) target_semaphore(%arg19 : memref<!tpu.dma_semaphore, #tpu.memory_space<semaphore_mem>>)
          %while3A_575 = arith.constant 0 : i32
          scf.yield %while3A_575 : i32
        }
        %while3A_531 = arith.constant 1 : i32
        %while3A_532 = scf.for %while3A_556 = %while3A_528 to %while3A_524 step %while3A_531 iter_args(%while3A_557 = %while3A_530) -> (i32)  : i32 {
          %mul3A_558 = arith.constant 32 : i32
          %mul3A_559 = arith.muli %while3A_514, %mul3A_558 : i32
          %add3A_560 = arith.addi %mul3A_559, %while3A_556 : i32
          %get3A_561 = arith.index_cast %add3A_560 : i32 to index
          %get3A_562 = tpu.vector_load %arg9[%get3A_561] {strides = array<i32>} : memref<832xi32, #tpu.memory_space<vmem>>, vector<16xi32>,
          %slice3A_563 = vector.extract_strided_slice %get3A_562 {offsets = [0], sizes = [1], strides = [1]} : vector<16xi32> to vector<1xi32>
          %squeeze3A_564 = vector.extract %slice3A_563[0] : i32 from vector<1xi32>
          %mul3A_565 = arith.constant 128 : i32
          %mul3A_566 = arith.muli %squeeze3A_564, %mul3A_565 : i32
          %mul3A_567 = arith.constant 128 : i32
          %mul3A_568 = arith.muli %while3A_556, %mul3A_567 : i32
          %dma_start3A_569 = tpu.memref_slice %arg10[%mul3A_568] : memref<4096xf32, #tpu.memory_space<vmem>> -> memref<128xf32, #tpu.memory_space<vmem>>
          %dma_start3A_570 = tpu.memref_slice %arg2[%add3A_22, %mul3A_566] : memref<1024x100352xf32, #tpu.memory_space<hbm>> -> memref<1x128xf32, #tpu.memory_space<hbm>>
          %dma_start3A_571 = tpu.memref_squeeze %dma_start3A_570 : memref<1x128xf32, #tpu.memory_space<hbm>> -> memref<128xf32, #tpu.memory_space<hbm>>
          %dma_start3A_572 = tpu.memref_slice %arg10[%mul3A_568] : memref<4096xf32, #tpu.memory_space<vmem>> -> memref<128xf32, #tpu.memory_space<vmem>>
          %dma_start3A_573 = tpu.memref_slice %arg2[%add3A_22, %mul3A_566] : memref<1024x100352xf32, #tpu.memory_space<hbm>> -> memref<1x128xf32, #tpu.memory_space<hbm>>
          %dma_start3A_574 = tpu.memref_squeeze %dma_start3A_573 : memref<1x128xf32, #tpu.memory_space<hbm>> -> memref<128xf32, #tpu.memory_space<hbm>>
          tpu.enqueue_dma source(%dma_start3A_574 : memref<128xf32, #tpu.memory_space<hbm>>) target(%dma_start3A_572 : memref<128xf32, #tpu.memory_space<vmem>>) target_semaphore(%arg19 : memref<!tpu.dma_semaphore, #tpu.memory_space<semaphore_mem>>)
          %while3A_575 = arith.constant 0 : i32
          scf.yield %while3A_575 : i32
        }
        %while3A_533 = arith.constant 0 : i32
        %while3A_534 = arith.constant 0 : i32
        %while3A_535 = arith.subi %min3A_520, %while3A_533 : i32
        %while3A_536 = arith.addi %while3A_533, %while3A_535 : i32
        %while3A_537 = arith.constant 1 : i32
        %while3A_538 = arith.divsi %while3A_535, %while3A_537 : i32
        %while3A_539 = arith.muli %while3A_538, %while3A_537 : i32
        %while3A_540 = arith.addi %while3A_533, %while3A_539 : i32
        %while3A_541 = arith.constant 1 : i32
        %while3A_542 = scf.for %while3A_556 = %while3A_533 to %while3A_540 step %while3A_541 iter_args(%while3A_557 = %while3A_534) -> (i32)  : i32 {
          %mul3A_558 = arith.constant 128 : i32
          %mul3A_559 = arith.muli %while3A_556, %mul3A_558 : i32
          %dma_wait3A_560 = tpu.memref_slice %arg10[%mul3A_559] : memref<4096xf32, #tpu.memory_space<vmem>> -> memref<128xf32, #tpu.memory_space<vmem>>
          %dma_wait3A_561 = arith.constant 0 : i32
          %dma_wait3A_562 = tpu.memref_slice %arg2[%add3A_22, %dma_wait3A_561] : memref<1024x100352xf32, #tpu.memory_space<hbm>> -> memref<1x128xf32, #tpu.memory_space<hbm>>
          %dma_wait3A_563 = tpu.memref_squeeze %dma_wait3A_562 : memref<1x128xf32, #tpu.memory_space<hbm>> -> memref<128xf32, #tpu.memory_space<hbm>>
          %dma_wait3A_564 = tpu.memref_slice %arg10[%mul3A_559] : memref<4096xf32, #tpu.memory_space<vmem>> -> memref<128xf32, #tpu.memory_space<vmem>>
          %dma_wait3A_565 = arith.constant 0 : i32
          %dma_wait3A_566 = tpu.memref_slice %arg2[%add3A_22, %dma_wait3A_565] : memref<1024x100352xf32, #tpu.memory_space<hbm>> -> memref<1x128xf32, #tpu.memory_space<hbm>>
          %dma_wait3A_567 = tpu.memref_squeeze %dma_wait3A_566 : memref<1x128xf32, #tpu.memory_space<hbm>> -> memref<128xf32, #tpu.memory_space<hbm>>
          tpu.wait_dma2 semaphore(%arg19 : memref<!tpu.dma_semaphore, #tpu.memory_space<semaphore_mem>>) src(%dma_wait3A_567 : memref<128xf32, #tpu.memory_space<hbm>>) dst(%dma_wait3A_564 : memref<128xf32, #tpu.memory_space<vmem>>)
          %while3A_568 = arith.constant 0 : i32
          scf.yield %while3A_568 : i32
        }
        %while3A_543 = arith.constant 1 : i32
        %while3A_544 = scf.for %while3A_556 = %while3A_540 to %while3A_536 step %while3A_543 iter_args(%while3A_557 = %while3A_542) -> (i32)  : i32 {
          %mul3A_558 = arith.constant 128 : i32
          %mul3A_559 = arith.muli %while3A_556, %mul3A_558 : i32
          %dma_wait3A_560 = tpu.memref_slice %arg10[%mul3A_559] : memref<4096xf32, #tpu.memory_space<vmem>> -> memref<128xf32, #tpu.memory_space<vmem>>
          %dma_wait3A_561 = arith.constant 0 : i32
          %dma_wait3A_562 = tpu.memref_slice %arg2[%add3A_22, %dma_wait3A_561] : memref<1024x100352xf32, #tpu.memory_space<hbm>> -> memref<1x128xf32, #tpu.memory_space<hbm>>
          %dma_wait3A_563 = tpu.memref_squeeze %dma_wait3A_562 : memref<1x128xf32, #tpu.memory_space<hbm>> -> memref<128xf32, #tpu.memory_space<hbm>>
          %dma_wait3A_564 = tpu.memref_slice %arg10[%mul3A_559] : memref<4096xf32, #tpu.memory_space<vmem>> -> memref<128xf32, #tpu.memory_space<vmem>>
          %dma_wait3A_565 = arith.constant 0 : i32
          %dma_wait3A_566 = tpu.memref_slice %arg2[%add3A_22, %dma_wait3A_565] : memref<1024x100352xf32, #tpu.memory_space<hbm>> -> memref<1x128xf32, #tpu.memory_space<hbm>>
          %dma_wait3A_567 = tpu.memref_squeeze %dma_wait3A_566 : memref<1x128xf32, #tpu.memory_space<hbm>> -> memref<128xf32, #tpu.memory_space<hbm>>
          tpu.wait_dma2 semaphore(%arg19 : memref<!tpu.dma_semaphore, #tpu.memory_space<semaphore_mem>>) src(%dma_wait3A_567 : memref<128xf32, #tpu.memory_space<hbm>>) dst(%dma_wait3A_564 : memref<128xf32, #tpu.memory_space<vmem>>)
          %while3A_568 = arith.constant 0 : i32
          scf.yield %while3A_568 : i32
        }
        %while3A_545 = arith.constant 0 : i32
        %while3A_546 = arith.subi %min3A_520, %while3A_545 : i32
        %while3A_547 = arith.addi %while3A_545, %while3A_546 : i32
        %while3A_548 = arith.constant 1 : i32
        %while3A_549 = arith.divsi %while3A_546, %while3A_548 : i32
        %while3A_550 = arith.muli %while3A_549, %while3A_548 : i32
        %while3A_551 = arith.addi %while3A_545, %while3A_550 : i32
        %while3A_552 = arith.constant 1 : i32
        %while3A_553 = scf.for %while3A_556 = %while3A_545 to %while3A_551 step %while3A_552 iter_args(%while3A_557 = %while3A_515) -> (i32)  : i32 {
          %mul3A_558 = arith.constant 32 : i32
          %mul3A_559 = arith.muli %while3A_514, %mul3A_558 : i32
          %add3A_560 = arith.addi %mul3A_559, %while3A_556 : i32
          %get3A_561 = arith.index_cast %add3A_560 : i32 to index
          %get3A_562 = tpu.vector_load %arg9[%get3A_561] {strides = array<i32>} : memref<832xi32, #tpu.memory_space<vmem>>, vector<16xi32>,
          %slice3A_563 = vector.extract_strided_slice %get3A_562 {offsets = [0], sizes = [1], strides = [1]} : vector<16xi32> to vector<1xi32>
          %squeeze3A_564 = vector.extract %slice3A_563[0] : i32 from vector<1xi32>
          %mul3A_565 = arith.constant 128 : i32
          %mul3A_566 = arith.muli %squeeze3A_564, %mul3A_565 : i32
          %scan3A_567 = arith.constant 0 : i32
          %scan3A_568 = arith.constant 8 : i32
          %scan3A_569 = arith.addi %scan3A_567, %scan3A_568 : i32
          %scan3A_570 = arith.constant 1 : i32
          %scan3A_571 = scf.for %scan3A_573 = %scan3A_567 to %scan3A_569 step %scan3A_570 iter_args(%scan3A_574 = %while3A_557) -> (i32)  : i32 {
            %mul3A_575 = arith.constant 128 : i32
            %mul3A_576 = arith.muli %while3A_556, %mul3A_575 : i32
            %mul3A_577 = arith.constant 16 : i32
            %mul3A_578 = arith.muli %scan3A_573, %mul3A_577 : i32
            %add3A_579 = arith.addi %mul3A_576, %mul3A_578 : i32
            %get3A_580 = arith.index_cast %add3A_579 : i32 to index
            %get3A_581 = tpu.vector_load %arg10[%get3A_580] {strides = array<i32>} : memref<4096xf32, #tpu.memory_space<vmem>>, vector<16xf32>,
            %ge3A = vector.broadcast %sub3A_36 : f32 to vector<16xf32>
            %ge3A_582 = arith.cmpf oge, %get3A_581, %ge3A : vector<16xf32>
            %convert_element_type3A = arith.extui %ge3A_582 : vector<16xi1> to vector<16xi32>
            %broadcast_in_dim3A_583 = arith.constant true
            %broadcast_in_dim3A_584 = vector.broadcast %broadcast_in_dim3A_583 : i1 to vector<16xi1>
            %masked_cumsum3A = tpu.scan <sum>, %convert_element_type3A masked %broadcast_in_dim3A_584 : vector<16xi32>, vector<16xi1> -> vector<16xi32>
            %add3A_585 = vector.broadcast %scan3A_574 : i32 to vector<16xi32>
            %add3A_586 = arith.addi %add3A_585, %masked_cumsum3A : vector<16xi32>
            %sub3A_587 = arith.constant 1 : i32
            %sub3A_588 = vector.broadcast %sub3A_587 : i32 to vector<16xi32>
            %sub3A_589 = arith.subi %add3A_586, %sub3A_588 : vector<16xi32>
            %min3A_590 = arith.constant 2047 : i32
            %min3A_591 = vector.broadcast %min3A_590 : i32 to vector<16xi32>
            %min3A_592 = arith.minsi %sub3A_589, %min3A_591 : vector<16xi32>
            %mul3A_593 = arith.constant 16 : i32
            %mul3A_594 = arith.muli %scan3A_573, %mul3A_593 : i32
            %add3A_595 = arith.addi %mul3A_566, %mul3A_594 : i32
            %add3A_596 = vector.broadcast %add3A_595 : i32 to vector<16xi32>
            %add3A_597 = arith.addi %add3A_596, %iota3A : vector<16xi32>
            tpu.vector_store_idx %arg11[%min3A_592], %get3A_581 masked %ge3A_582 : memref<2064xf32, #tpu.memory_space<vmem>>[vector<16xi32>], vector<16xf32>, vector<16xi1>
            tpu.vector_store_idx %arg12[%min3A_592], %add3A_597 masked %ge3A_582 : memref<2064xi32, #tpu.memory_space<vmem>>[vector<16xi32>], vector<16xi32>, vector<16xi1>
            %convert_element_type3A_598 = arith.extui %ge3A_582 : vector<16xi1> to vector<16xi32>
            %reduce_sum3A_599 = arith.constant true
            %reduce_sum3A_600 = vector.broadcast %reduce_sum3A_599 : i1 to vector<16xi1>
            %reduce_sum3A_601 = tpu.scan <sum>, %convert_element_type3A_598 masked %reduce_sum3A_600 : vector<16xi32>, vector<16xi1> -> vector<16xi32>
            %reduce_sum3A_602 = vector.extract %reduce_sum3A_601[15] : i32 from vector<16xi32>
            %add3A_603 = arith.addi %scan3A_574, %reduce_sum3A_602 : i32
            scf.yield %add3A_603 : i32
          }
          %scan3A_572 = arith.constant 8 : i32
          scf.yield %scan3A_571 : i32
        }
        %while3A_554 = arith.constant 1 : i32
        %while3A_555 = scf.for %while3A_556 = %while3A_551 to %while3A_547 step %while3A_554 iter_args(%while3A_557 = %while3A_553) -> (i32)  : i32 {
          %mul3A_558 = arith.constant 32 : i32
          %mul3A_559 = arith.muli %while3A_514, %mul3A_558 : i32
          %add3A_560 = arith.addi %mul3A_559, %while3A_556 : i32
          %get3A_561 = arith.index_cast %add3A_560 : i32 to index
          %get3A_562 = tpu.vector_load %arg9[%get3A_561] {strides = array<i32>} : memref<832xi32, #tpu.memory_space<vmem>>, vector<16xi32>,
          %slice3A_563 = vector.extract_strided_slice %get3A_562 {offsets = [0], sizes = [1], strides = [1]} : vector<16xi32> to vector<1xi32>
          %squeeze3A_564 = vector.extract %slice3A_563[0] : i32 from vector<1xi32>
          %mul3A_565 = arith.constant 128 : i32
          %mul3A_566 = arith.muli %squeeze3A_564, %mul3A_565 : i32
          %scan3A_567 = arith.constant 0 : i32
          %scan3A_568 = arith.constant 8 : i32
          %scan3A_569 = arith.addi %scan3A_567, %scan3A_568 : i32
          %scan3A_570 = arith.constant 1 : i32
          %scan3A_571 = scf.for %scan3A_573 = %scan3A_567 to %scan3A_569 step %scan3A_570 iter_args(%scan3A_574 = %while3A_557) -> (i32)  : i32 {
            %mul3A_575 = arith.constant 128 : i32
            %mul3A_576 = arith.muli %while3A_556, %mul3A_575 : i32
            %mul3A_577 = arith.constant 16 : i32
            %mul3A_578 = arith.muli %scan3A_573, %mul3A_577 : i32
            %add3A_579 = arith.addi %mul3A_576, %mul3A_578 : i32
            %get3A_580 = arith.index_cast %add3A_579 : i32 to index
            %get3A_581 = tpu.vector_load %arg10[%get3A_580] {strides = array<i32>} : memref<4096xf32, #tpu.memory_space<vmem>>, vector<16xf32>,
            %ge3A = vector.broadcast %sub3A_36 : f32 to vector<16xf32>
            %ge3A_582 = arith.cmpf oge, %get3A_581, %ge3A : vector<16xf32>
            %convert_element_type3A = arith.extui %ge3A_582 : vector<16xi1> to vector<16xi32>
            %broadcast_in_dim3A_583 = arith.constant true
            %broadcast_in_dim3A_584 = vector.broadcast %broadcast_in_dim3A_583 : i1 to vector<16xi1>
            %masked_cumsum3A = tpu.scan <sum>, %convert_element_type3A masked %broadcast_in_dim3A_584 : vector<16xi32>, vector<16xi1> -> vector<16xi32>
            %add3A_585 = vector.broadcast %scan3A_574 : i32 to vector<16xi32>
            %add3A_586 = arith.addi %add3A_585, %masked_cumsum3A : vector<16xi32>
            %sub3A_587 = arith.constant 1 : i32
            %sub3A_588 = vector.broadcast %sub3A_587 : i32 to vector<16xi32>
            %sub3A_589 = arith.subi %add3A_586, %sub3A_588 : vector<16xi32>
            %min3A_590 = arith.constant 2047 : i32
            %min3A_591 = vector.broadcast %min3A_590 : i32 to vector<16xi32>
            %min3A_592 = arith.minsi %sub3A_589, %min3A_591 : vector<16xi32>
            %mul3A_593 = arith.constant 16 : i32
            %mul3A_594 = arith.muli %scan3A_573, %mul3A_593 : i32
            %add3A_595 = arith.addi %mul3A_566, %mul3A_594 : i32
            %add3A_596 = vector.broadcast %add3A_595 : i32 to vector<16xi32>
            %add3A_597 = arith.addi %add3A_596, %iota3A : vector<16xi32>
            tpu.vector_store_idx %arg11[%min3A_592], %get3A_581 masked %ge3A_582 : memref<2064xf32, #tpu.memory_space<vmem>>[vector<16xi32>], vector<16xf32>, vector<16xi1>
            tpu.vector_store_idx %arg12[%min3A_592], %add3A_597 masked %ge3A_582 : memref<2064xi32, #tpu.memory_space<vmem>>[vector<16xi32>], vector<16xi32>, vector<16xi1>
            %convert_element_type3A_598 = arith.extui %ge3A_582 : vector<16xi1> to vector<16xi32>
            %reduce_sum3A_599 = arith.constant true
            %reduce_sum3A_600 = vector.broadcast %reduce_sum3A_599 : i1 to vector<16xi1>
            %reduce_sum3A_601 = tpu.scan <sum>, %convert_element_type3A_598 masked %reduce_sum3A_600 : vector<16xi32>, vector<16xi1> -> vector<16xi32>
            %reduce_sum3A_602 = vector.extract %reduce_sum3A_601[15] : i32 from vector<16xi32>
            %add3A_603 = arith.addi %scan3A_574, %reduce_sum3A_602 : i32
            scf.yield %add3A_603 : i32
          }
          %scan3A_572 = arith.constant 8 : i32
          scf.yield %scan3A_571 : i32
        }
        scf.yield %while3A_555 : i32
      }
      %min3A = arith.constant 2048 : i32
      %min3A_74 = arith.minsi %while3A_73, %min3A : i32
      %broadcast_in_dim3A = arith.constant 0xFF800000 : f32
      %broadcast_in_dim3A_75 = vector.broadcast %broadcast_in_dim3A : f32 to vector<16xf32>
      %swap3A = arith.index_cast %min3A_74 : i32 to index
      %swap3A_76 = tpu.vector_load %arg11[%swap3A] {strides = array<i32>} : memref<2064xf32, #tpu.memory_space<vmem>>, vector<16xf32>,
      tpu.vector_store %arg11[%swap3A], %broadcast_in_dim3A_75 {strides = array<i32>} : memref<2064xf32, #tpu.memory_space<vmem>>, vector<16xf32>,
      %add3A_77 = arith.constant 15 : i32
      %add3A_78 = arith.addi %min3A_74, %add3A_77 : i32
      %jit3A_79 = arith.constant 16 : i32
      %div3A_80 = arith.divsi %add3A_78, %jit3A_79 : i32
      %sign3A_81 = arith.constant 0 : i32
      %sign3A_82 = arith.cmpi sgt, %add3A_78, %sign3A_81 : i32
      %sign3A_83 = arith.extui %sign3A_82 : i1 to i32
      %sign3A_84 = arith.constant 0 : i32
      %sign3A_85 = arith.cmpi slt, %add3A_78, %sign3A_84 : i32
      %sign3A_86 = arith.extui %sign3A_85 : i1 to i32
      %sign3A_87 = arith.subi %sign3A_83, %sign3A_86 : i32
      %sign3A_88 = arith.constant 0 : i32
      %sign3A_89 = arith.cmpi sgt, %jit3A_79, %sign3A_88 : i32
      %sign3A_90 = arith.extui %sign3A_89 : i1 to i32
      %sign3A_91 = arith.constant 0 : i32
      %sign3A_92 = arith.cmpi slt, %jit3A_79, %sign3A_91 : i32
      %sign3A_93 = arith.extui %sign3A_92 : i1 to i32
      %sign3A_94 = arith.subi %sign3A_90, %sign3A_93 : i32
      %ne3A_95 = arith.cmpi ne, %sign3A_87, %sign3A_94 : i32
      %rem3A_96 = arith.remsi %add3A_78, %jit3A_79 : i32
      %ne3A_97 = arith.constant 0 : i32
      %ne3A_98 = arith.cmpi ne, %rem3A_96, %ne3A_97 : i32
      %and3A_99 = arith.andi %ne3A_95, %ne3A_98 : i1
      %sub3A_100 = arith.constant 1 : i32
      %sub3A_101 = arith.subi %div3A_80, %sub3A_100 : i32
      %select_n3A_102 = arith.select %and3A_99, %sub3A_101, %div3A_80 : i32
      %broadcast_in_dim3A_103 = arith.constant 0xFF800000 : f32
      %broadcast_in_dim3A_104 = vector.broadcast %broadcast_in_dim3A_103 : f32 to vector<16xf32>
      %swap3A_105 = arith.constant 0 : index
      %swap3A_106 = tpu.vector_load %arg13[%swap3A_105] {strides = array<i32>} : memref<48xf32, #tpu.memory_space<vmem>>, vector<16xf32>,
      tpu.vector_store %arg13[%swap3A_105], %broadcast_in_dim3A_104 {strides = array<i32>} : memref<48xf32, #tpu.memory_space<vmem>>, vector<16xf32>,
      %broadcast_in_dim3A_107 = arith.constant 0 : i32
      %broadcast_in_dim3A_108 = vector.broadcast %broadcast_in_dim3A_107 : i32 to vector<16xi32>
      %swap3A_109 = arith.constant 0 : index
      %swap3A_110 = tpu.vector_load %arg14[%swap3A_109] {strides = array<i32>} : memref<48xi32, #tpu.memory_space<vmem>>, vector<16xi32>,
      tpu.vector_store %arg14[%swap3A_109], %broadcast_in_dim3A_108 {strides = array<i32>} : memref<48xi32, #tpu.memory_space<vmem>>, vector<16xi32>,
      %broadcast_in_dim3A_111 = arith.constant 0xFF800000 : f32
      %broadcast_in_dim3A_112 = vector.broadcast %broadcast_in_dim3A_111 : f32 to vector<16xf32>
      %swap3A_113 = arith.constant 16 : index
      %swap3A_114 = tpu.vector_load %arg13[%swap3A_113] {strides = array<i32>} : memref<48xf32, #tpu.memory_space<vmem>>, vector<16xf32>,
      tpu.vector_store %arg13[%swap3A_113], %broadcast_in_dim3A_112 {strides = array<i32>} : memref<48xf32, #tpu.memory_space<vmem>>, vector<16xf32>,
      %broadcast_in_dim3A_115 = arith.constant 0 : i32
      %broadcast_in_dim3A_116 = vector.broadcast %broadcast_in_dim3A_115 : i32 to vector<16xi32>
      %swap3A_117 = arith.constant 16 : index
      %swap3A_118 = tpu.vector_load %arg14[%swap3A_117] {strides = array<i32>} : memref<48xi32, #tpu.memory_space<vmem>>, vector<16xi32>,
      tpu.vector_store %arg14[%swap3A_117], %broadcast_in_dim3A_116 {strides = array<i32>} : memref<48xi32, #tpu.memory_space<vmem>>, vector<16xi32>,
      %broadcast_in_dim3A_119 = arith.constant 0xFF800000 : f32
      %broadcast_in_dim3A_120 = vector.broadcast %broadcast_in_dim3A_119 : f32 to vector<16xf32>
      %swap3A_121 = arith.constant 32 : index
      %swap3A_122 = tpu.vector_load %arg13[%swap3A_121] {strides = array<i32>} : memref<48xf32, #tpu.memory_space<vmem>>, vector<16xf32>,
      tpu.vector_store %arg13[%swap3A_121], %broadcast_in_dim3A_120 {strides = array<i32>} : memref<48xf32, #tpu.memory_space<vmem>>, vector<16xf32>,
      %broadcast_in_dim3A_123 = arith.constant 0 : i32
      %broadcast_in_dim3A_124 = vector.broadcast %broadcast_in_dim3A_123 : i32 to vector<16xi32>
      %swap3A_125 = arith.constant 32 : index
      %swap3A_126 = tpu.vector_load %arg14[%swap3A_125] {strides = array<i32>} : memref<48xi32, #tpu.memory_space<vmem>>, vector<16xi32>,
      tpu.vector_store %arg14[%swap3A_125], %broadcast_in_dim3A_124 {strides = array<i32>} : memref<48xi32, #tpu.memory_space<vmem>>, vector<16xi32>,
      %scan3A_127 = arith.constant 0 : i32
      %scan3A_128 = arith.constant 0 : i32
      %scan3A_129 = arith.constant 20 : i32
      %scan3A_130 = arith.addi %scan3A_128, %scan3A_129 : i32
      %scan3A_131 = arith.constant 1 : i32
      scf.for %scan3A_514 = %scan3A_128 to %scan3A_130 step %scan3A_131  : i32 {
        %broadcast_in_dim3A_515 = arith.constant 0xFF800000 : f32
        %broadcast_in_dim3A_516 = vector.broadcast %broadcast_in_dim3A_515 : f32 to vector<16xf32>
        %while3A_517 = arith.constant 0 : i32
        %while3A_518 = arith.subi %select_n3A_102, %while3A_517 : i32
        %while3A_519 = arith.addi %while3A_517, %while3A_518 : i32
        %while3A_520 = arith.constant 1 : i32
        %while3A_521 = arith.divsi %while3A_518, %while3A_520 : i32
        %while3A_522 = arith.muli %while3A_521, %while3A_520 : i32
        %while3A_523 = arith.addi %while3A_517, %while3A_522 : i32
        %while3A_524 = arith.constant 1 : i32
        %while3A_525 = scf.for %while3A_569 = %while3A_517 to %while3A_523 step %while3A_524 iter_args(%while3A_570 = %broadcast_in_dim3A_516) -> (vector<16xf32>)  : i32 {
          %mul3A_571 = arith.constant 16 : i32
          %mul3A_572 = arith.muli %while3A_569, %mul3A_571 : i32
          %get3A_573 = arith.index_cast %mul3A_572 : i32 to index
          %get3A_574 = tpu.vector_load %arg11[%get3A_573] {strides = array<i32>} : memref<2064xf32, #tpu.memory_space<vmem>>, vector<16xf32>,
          %max3A = arith.maximumf %while3A_570, %get3A_574 : vector<16xf32>
          scf.yield %max3A : vector<16xf32>
        }
        %while3A_526 = arith.constant 1 : i32
        %while3A_527 = scf.for %while3A_569 = %while3A_523 to %while3A_519 step %while3A_526 iter_args(%while3A_570 = %while3A_525) -> (vector<16xf32>)  : i32 {
          %mul3A_571 = arith.constant 16 : i32
          %mul3A_572 = arith.muli %while3A_569, %mul3A_571 : i32
          %get3A_573 = arith.index_cast %mul3A_572 : i32 to index
          %get3A_574 = tpu.vector_load %arg11[%get3A_573] {strides = array<i32>} : memref<2064xf32, #tpu.memory_space<vmem>>, vector<16xf32>,
          %max3A = arith.maximumf %while3A_570, %get3A_574 : vector<16xf32>
          scf.yield %max3A : vector<16xf32>
        }
        %reduce_max3A = arith.constant true
        %reduce_max3A_528 = vector.broadcast %reduce_max3A : i1 to vector<16xi1>
        %reduce_max3A_529 = tpu.scan <max>, %while3A_527 masked %reduce_max3A_528 : vector<16xf32>, vector<16xi1> -> vector<16xf32>
        %reduce_max3A_530 = vector.extract %reduce_max3A_529[15] : f32 from vector<16xf32>
        %while3A_531 = arith.constant 0 : i32
        %while3A_532 = arith.constant 1073741824 : i32
        %while3A_533 = arith.subi %select_n3A_102, %while3A_531 : i32
        %while3A_534 = arith.addi %while3A_531, %while3A_533 : i32
        %while3A_535 = arith.constant 1 : i32
        %while3A_536 = arith.divsi %while3A_533, %while3A_535 : i32
        %while3A_537 = arith.muli %while3A_536, %while3A_535 : i32
        %while3A_538 = arith.addi %while3A_531, %while3A_537 : i32
        %while3A_539 = arith.constant 1 : i32
        %while3A_540 = scf.for %while3A_569 = %while3A_531 to %while3A_538 step %while3A_539 iter_args(%while3A_570 = %while3A_532) -> (i32)  : i32 {
          %mul3A_571 = arith.constant 16 : i32
          %mul3A_572 = arith.muli %while3A_569, %mul3A_571 : i32
          %get3A_573 = arith.index_cast %mul3A_572 : i32 to index
          %get3A_574 = tpu.vector_load %arg11[%get3A_573] {strides = array<i32>} : memref<2064xf32, #tpu.memory_space<vmem>>, vector<16xf32>,
          %eq3A_575 = vector.broadcast %reduce_max3A_530 : f32 to vector<16xf32>
          %eq3A_576 = arith.cmpf oeq, %get3A_574, %eq3A_575 : vector<16xf32>
          %mul3A_577 = arith.constant 16 : i32
          %mul3A_578 = arith.muli %while3A_569, %mul3A_577 : i32
          %add3A_579 = vector.broadcast %mul3A_578 : i32 to vector<16xi32>
          %add3A_580 = arith.addi %add3A_579, %iota3A : vector<16xi32>
          %jit3A_581 = arith.constant 1073741824 : i32
          %broadcast_in_dim3A_582 = vector.broadcast %jit3A_581 : i32 to vector<16xi32>
          %select_n3A_583 = arith.select %eq3A_576, %add3A_580, %broadcast_in_dim3A_582 : vector<16xi1>, vector<16xi32>
          %reduce_min3A = arith.constant true
          %reduce_min3A_584 = vector.broadcast %reduce_min3A : i1 to vector<16xi1>
          %reduce_min3A_585 = arith.constant -2147483648 : i32
          %reduce_min3A_586 = vector.broadcast %reduce_min3A_585 : i32 to vector<16xi32>
          %reduce_min3A_587 = arith.xori %select_n3A_583, %reduce_min3A_586 : vector<16xi32>
          %reduce_min3A_588 = tpu.scan <min>, %reduce_min3A_587 masked %reduce_min3A_584 : vector<16xi32>, vector<16xi1> -> vector<16xi32>
          %reduce_min3A_589 = arith.xori %reduce_min3A_588, %reduce_min3A_586 : vector<16xi32>
          %reduce_min3A_590 = vector.extract %reduce_min3A_589[15] : i32 from vector<16xi32>
          %min3A_591 = arith.minsi %while3A_570, %reduce_min3A_590 : i32
          scf.yield %min3A_591 : i32
        }
        %while3A_541 = arith.constant 1 : i32
        %while3A_542 = scf.for %while3A_569 = %while3A_538 to %while3A_534 step %while3A_541 iter_args(%while3A_570 = %while3A_540) -> (i32)  : i32 {
          %mul3A_571 = arith.constant 16 : i32
          %mul3A_572 = arith.muli %while3A_569, %mul3A_571 : i32
          %get3A_573 = arith.index_cast %mul3A_572 : i32 to index
          %get3A_574 = tpu.vector_load %arg11[%get3A_573] {strides = array<i32>} : memref<2064xf32, #tpu.memory_space<vmem>>, vector<16xf32>,
          %eq3A_575 = vector.broadcast %reduce_max3A_530 : f32 to vector<16xf32>
          %eq3A_576 = arith.cmpf oeq, %get3A_574, %eq3A_575 : vector<16xf32>
          %mul3A_577 = arith.constant 16 : i32
          %mul3A_578 = arith.muli %while3A_569, %mul3A_577 : i32
          %add3A_579 = vector.broadcast %mul3A_578 : i32 to vector<16xi32>
          %add3A_580 = arith.addi %add3A_579, %iota3A : vector<16xi32>
          %jit3A_581 = arith.constant 1073741824 : i32
          %broadcast_in_dim3A_582 = vector.broadcast %jit3A_581 : i32 to vector<16xi32>
          %select_n3A_583 = arith.select %eq3A_576, %add3A_580, %broadcast_in_dim3A_582 : vector<16xi1>, vector<16xi32>
          %reduce_min3A = arith.constant true
          %reduce_min3A_584 = vector.broadcast %reduce_min3A : i1 to vector<16xi1>
          %reduce_min3A_585 = arith.constant -2147483648 : i32
          %reduce_min3A_586 = vector.broadcast %reduce_min3A_585 : i32 to vector<16xi32>
          %reduce_min3A_587 = arith.xori %select_n3A_583, %reduce_min3A_586 : vector<16xi32>
          %reduce_min3A_588 = tpu.scan <min>, %reduce_min3A_587 masked %reduce_min3A_584 : vector<16xi32>, vector<16xi1> -> vector<16xi32>
          %reduce_min3A_589 = arith.xori %reduce_min3A_588, %reduce_min3A_586 : vector<16xi32>
          %reduce_min3A_590 = vector.extract %reduce_min3A_589[15] : i32 from vector<16xi32>
          %min3A_591 = arith.minsi %while3A_570, %reduce_min3A_590 : i32
          scf.yield %min3A_591 : i32
        }
        %eq3A_543 = arith.constant 0 : i32
        %eq3A_544 = vector.broadcast %eq3A_543 : i32 to vector<16xi32>
        %eq3A_545 = arith.cmpi eq, %iota3A, %eq3A_544 : vector<16xi32>
        %get3A_546 = arith.index_cast %scan3A_514 : i32 to index
        %get3A_547 = tpu.vector_load %arg13[%get3A_546] {strides = array<i32>} : memref<48xf32, #tpu.memory_space<vmem>>, vector<16xf32>,
        %broadcast_in_dim3A_548 = vector.broadcast %reduce_max3A_530 : f32 to vector<16xf32>
        %select_n3A_549 = arith.select %eq3A_545, %broadcast_in_dim3A_548, %get3A_547 : vector<16xi1>, vector<16xf32>
        %swap3A_550 = arith.index_cast %scan3A_514 : i32 to index
        %swap3A_551 = tpu.vector_load %arg13[%swap3A_550] {strides = array<i32>} : memref<48xf32, #tpu.memory_space<vmem>>, vector<16xf32>,
        tpu.vector_store %arg13[%swap3A_550], %select_n3A_549 {strides = array<i32>} : memref<48xf32, #tpu.memory_space<vmem>>, vector<16xf32>,
        %get3A_552 = arith.index_cast %while3A_542 : i32 to index
        %get3A_553 = tpu.vector_load %arg12[%get3A_552] {strides = array<i32>} : memref<2064xi32, #tpu.memory_space<vmem>>, vector<16xi32>,
        %slice3A_554 = vector.extract_strided_slice %get3A_553 {offsets = [0], sizes = [1], strides = [1]} : vector<16xi32> to vector<1xi32>
        %squeeze3A_555 = vector.extract %slice3A_554[0] : i32 from vector<1xi32>
        %get3A_556 = arith.index_cast %scan3A_514 : i32 to index
        %get3A_557 = tpu.vector_load %arg14[%get3A_556] {strides = array<i32>} : memref<48xi32, #tpu.memory_space<vmem>>, vector<16xi32>,
        %broadcast_in_dim3A_558 = vector.broadcast %squeeze3A_555 : i32 to vector<16xi32>
        %select_n3A_559 = arith.select %eq3A_545, %broadcast_in_dim3A_558, %get3A_557 : vector<16xi1>, vector<16xi32>
        %swap3A_560 = arith.index_cast %scan3A_514 : i32 to index
        %swap3A_561 = tpu.vector_load %arg14[%swap3A_560] {strides = array<i32>} : memref<48xi32, #tpu.memory_space<vmem>>, vector<16xi32>,
        tpu.vector_store %arg14[%swap3A_560], %select_n3A_559 {strides = array<i32>} : memref<48xi32, #tpu.memory_space<vmem>>, vector<16xi32>,
        %get3A_562 = arith.index_cast %while3A_542 : i32 to index
        %get3A_563 = tpu.vector_load %arg11[%get3A_562] {strides = array<i32>} : memref<2064xf32, #tpu.memory_space<vmem>>, vector<16xf32>,
        %jit3A_564 = arith.constant 0xFF800000 : f32
        %broadcast_in_dim3A_565 = vector.broadcast %jit3A_564 : f32 to vector<16xf32>
        %select_n3A_566 = arith.select %eq3A_545, %broadcast_in_dim3A_565, %get3A_563 : vector<16xi1>, vector<16xf32>
        %swap3A_567 = arith.index_cast %while3A_542 : i32 to index
        %swap3A_568 = tpu.vector_load %arg11[%swap3A_567] {strides = array<i32>} : memref<2064xf32, #tpu.memory_space<vmem>>, vector<16xf32>,
        tpu.vector_store %arg11[%swap3A_567], %select_n3A_566 {strides = array<i32>} : memref<2064xf32, #tpu.memory_space<vmem>>, vector<16xf32>,
      }
      %scan3A_132 = arith.constant 20 : i32
      %get3A_133 = arith.constant 0 : index
      %get3A_134 = tpu.vector_load %arg14[%get3A_133] {strides = array<i32>} : memref<48xi32, #tpu.memory_space<vmem>>, vector<16xi32>,
      %gather3A = tpu.vector_load_idx %arg7[%get3A_134] : memref<100000xi32, #tpu.memory_space<vmem>>[vector<16xi32>], vector<16xi32>,
      %swap3A_135 = arith.constant 0 : index
      %swap3A_136 = tpu.vector_load %arg15[%swap3A_135] {strides = array<i32>} : memref<32xi32, #tpu.memory_space<vmem>>, vector<16xi32>,
      tpu.vector_store %arg15[%swap3A_135], %gather3A {strides = array<i32>} : memref<32xi32, #tpu.memory_space<vmem>>, vector<16xi32>,
      %get3A_137 = arith.constant 16 : index
      %get3A_138 = tpu.vector_load %arg14[%get3A_137] {strides = array<i32>} : memref<48xi32, #tpu.memory_space<vmem>>, vector<16xi32>,
      %gather3A_139 = tpu.vector_load_idx %arg7[%get3A_138] : memref<100000xi32, #tpu.memory_space<vmem>>[vector<16xi32>], vector<16xi32>,
      %swap3A_140 = arith.constant 16 : index
      %swap3A_141 = tpu.vector_load %arg15[%swap3A_140] {strides = array<i32>} : memref<32xi32, #tpu.memory_space<vmem>>, vector<16xi32>,
      tpu.vector_store %arg15[%swap3A_140], %gather3A_139 {strides = array<i32>} : memref<32xi32, #tpu.memory_space<vmem>>, vector<16xi32>,
      %get3A_142 = arith.constant 0 : index
      %get3A_143 = tpu.vector_load %arg13[%get3A_142] {strides = array<i32>} : memref<48xf32, #tpu.memory_space<vmem>>, vector<16xf32>,
      %slice3A_144 = vector.extract_strided_slice %get3A_143 {offsets = [0], sizes = [1], strides = [1]} : vector<16xf32> to vector<1xf32>
      %squeeze3A_145 = vector.extract %slice3A_144[0] : f32 from vector<1xf32>
      %get3A_146 = arith.constant 0 : index
      %get3A_147 = tpu.vector_load %arg13[%get3A_146] {strides = array<i32>} : memref<48xf32, #tpu.memory_space<vmem>>, vector<16xf32>,
      %sub3A_148 = vector.broadcast %squeeze3A_145 : f32 to vector<16xf32>
      %sub3A_149 = arith.subf %get3A_147, %sub3A_148 : vector<16xf32>
      %mul3A_150 = arith.constant 14.2857141 : f32
      %mul3A_151 = vector.broadcast %mul3A_150 : f32 to vector<16xf32>
      %mul3A_152 = arith.mulf %sub3A_149, %mul3A_151 : vector<16xf32>
      %exp3A = math.exp %mul3A_152 : vector<16xf32>
      %get3A_153 = arith.constant 16 : index
      %get3A_154 = tpu.vector_load %arg13[%get3A_153] {strides = array<i32>} : memref<48xf32, #tpu.memory_space<vmem>>, vector<16xf32>,
      %sub3A_155 = vector.broadcast %squeeze3A_145 : f32 to vector<16xf32>
      %sub3A_156 = arith.subf %get3A_154, %sub3A_155 : vector<16xf32>
      %mul3A_157 = arith.constant 14.2857141 : f32
      %mul3A_158 = vector.broadcast %mul3A_157 : f32 to vector<16xf32>
      %mul3A_159 = arith.mulf %sub3A_156, %mul3A_158 : vector<16xf32>
      %exp3A_160 = math.exp %mul3A_159 : vector<16xf32>
      %reduce_sum3A = arith.constant true
      %reduce_sum3A_161 = vector.broadcast %reduce_sum3A : i1 to vector<16xi1>
      %reduce_sum3A_162 = tpu.scan <sum>, %exp3A masked %reduce_sum3A_161 : vector<16xf32>, vector<16xi1> -> vector<16xf32>
      %reduce_sum3A_163 = vector.extract %reduce_sum3A_162[15] : f32 from vector<16xf32>
      %reduce_sum3A_164 = arith.constant true
      %reduce_sum3A_165 = vector.broadcast %reduce_sum3A_164 : i1 to vector<16xi1>
      %reduce_sum3A_166 = tpu.scan <sum>, %exp3A_160 masked %reduce_sum3A_165 : vector<16xf32>, vector<16xi1> -> vector<16xf32>
      %reduce_sum3A_167 = vector.extract %reduce_sum3A_166[15] : f32 from vector<16xf32>
      %add3A_168 = arith.addf %reduce_sum3A_163, %reduce_sum3A_167 : f32
      %div3A_169 = vector.broadcast %add3A_168 : f32 to vector<16xf32>
      %div3A_170 = arith.divf %exp3A, %div3A_169 : vector<16xf32>
      %swap3A_171 = arith.constant 0 : index
      %swap3A_172 = tpu.vector_load %arg16[%swap3A_171] {strides = array<i32>} : memref<32xf32, #tpu.memory_space<vmem>>, vector<16xf32>,
      tpu.vector_store %arg16[%swap3A_171], %div3A_170 {strides = array<i32>} : memref<32xf32, #tpu.memory_space<vmem>>, vector<16xf32>,
      %div3A_173 = vector.broadcast %add3A_168 : f32 to vector<16xf32>
      %div3A_174 = arith.divf %exp3A_160, %div3A_173 : vector<16xf32>
      %swap3A_175 = arith.constant 16 : index
      %swap3A_176 = tpu.vector_load %arg16[%swap3A_175] {strides = array<i32>} : memref<32xf32, #tpu.memory_space<vmem>>, vector<16xf32>,
      tpu.vector_store %arg16[%swap3A_175], %div3A_174 {strides = array<i32>} : memref<32xf32, #tpu.memory_space<vmem>>, vector<16xf32>,
      %scan3A_177 = arith.constant 0 : i32
      %scan3A_178 = arith.constant 64 : i32
      %scan3A_179 = arith.addi %scan3A_177, %scan3A_178 : i32
      %scan3A_180 = arith.constant 1 : i32
      scf.for %scan3A_514 = %scan3A_177 to %scan3A_179 step %scan3A_180  : i32 {
        %mul3A_515 = arith.constant 16 : i32
        %mul3A_516 = arith.muli %scan3A_514, %mul3A_515 : i32
        %add3A_517 = arith.constant 0 : i32
        %add3A_518 = arith.addi %add3A_517, %mul3A_516 : i32
        %broadcast_in_dim3A_519 = arith.constant 0.000000e+00 : f32
        %broadcast_in_dim3A_520 = vector.broadcast %broadcast_in_dim3A_519 : f32 to vector<16xf32>
        %swap3A_521 = arith.index_cast %add3A_518 : i32 to index
        %swap3A_522 = tpu.vector_load %arg17[%swap3A_521] {strides = array<i32>} : memref<1024xf32, #tpu.memory_space<vmem>>, vector<16xf32>,
        tpu.vector_store %arg17[%swap3A_521], %broadcast_in_dim3A_520 {strides = array<i32>} : memref<1024xf32, #tpu.memory_space<vmem>>, vector<16xf32>,
      }
      %scan3A_181 = arith.constant 64 : i32
      %get3A_182 = arith.constant 0 : index
      %get3A_183 = tpu.vector_load %arg15[%get3A_182] {strides = array<i32>} : memref<32xi32, #tpu.memory_space<vmem>>, vector<16xi32>,
      %get3A_184 = arith.constant 16 : index
      %get3A_185 = tpu.vector_load %arg15[%get3A_184] {strides = array<i32>} : memref<32xi32, #tpu.memory_space<vmem>>, vector<16xi32>,
      %get3A_186 = arith.constant 0 : index
      %get3A_187 = tpu.vector_load %arg16[%get3A_186] {strides = array<i32>} : memref<32xf32, #tpu.memory_space<vmem>>, vector<16xf32>,
      %get3A_188 = arith.constant 16 : index
      %get3A_189 = tpu.vector_load %arg16[%get3A_188] {strides = array<i32>} : memref<32xf32, #tpu.memory_space<vmem>>, vector<16xf32>,
      %slice3A_190 = vector.extract_strided_slice %get3A_183 {offsets = [0], sizes = [1], strides = [1]} : vector<16xi32> to vector<1xi32>
      %squeeze3A_191 = vector.extract %slice3A_190[0] : i32 from vector<1xi32>
      %slice3A_192 = vector.extract_strided_slice %get3A_187 {offsets = [0], sizes = [1], strides = [1]} : vector<16xf32> to vector<1xf32>
      %squeeze3A_193 = vector.extract %slice3A_192[0] : f32 from vector<1xf32>
      %get3A_194 = arith.index_cast %squeeze3A_191 : i32 to index
      %get3A_195 = tpu.vector_load %arg17[%get3A_194] {strides = array<i32>} : memref<1024xf32, #tpu.memory_space<vmem>>, vector<16xf32>,
      %eq3A = arith.constant 0 : i32
      %eq3A_196 = vector.broadcast %eq3A : i32 to vector<16xi32>
      %eq3A_197 = arith.cmpi eq, %iota3A, %eq3A_196 : vector<16xi32>
      %jit3A_198 = arith.constant 0.000000e+00 : f32
      %broadcast_in_dim3A_199 = vector.broadcast %squeeze3A_193 : f32 to vector<16xf32>
      %broadcast_in_dim3A_200 = vector.broadcast %jit3A_198 : f32 to vector<16xf32>
      %select_n3A_201 = arith.select %eq3A_197, %broadcast_in_dim3A_199, %broadcast_in_dim3A_200 : vector<16xi1>, vector<16xf32>
      %add3A_202 = arith.addf %get3A_195, %select_n3A_201 : vector<16xf32>
      %swap3A_203 = arith.index_cast %squeeze3A_191 : i32 to index
      %swap3A_204 = tpu.vector_load %arg17[%swap3A_203] {strides = array<i32>} : memref<1024xf32, #tpu.memory_space<vmem>>, vector<16xf32>,
      tpu.vector_store %arg17[%swap3A_203], %add3A_202 {strides = array<i32>} : memref<1024xf32, #tpu.memory_space<vmem>>, vector<16xf32>,
      %slice3A_205 = vector.extract_strided_slice %get3A_183 {offsets = [1], sizes = [1], strides = [1]} : vector<16xi32> to vector<1xi32>
      %squeeze3A_206 = vector.extract %slice3A_205[0] : i32 from vector<1xi32>
      %slice3A_207 = vector.extract_strided_slice %get3A_187 {offsets = [1], sizes = [1], strides = [1]} : vector<16xf32> to vector<1xf32>
      %squeeze3A_208 = vector.extract %slice3A_207[0] : f32 from vector<1xf32>
      %get3A_209 = arith.index_cast %squeeze3A_206 : i32 to index
      %get3A_210 = tpu.vector_load %arg17[%get3A_209] {strides = array<i32>} : memref<1024xf32, #tpu.memory_space<vmem>>, vector<16xf32>,
      %eq3A_211 = arith.constant 0 : i32
      %eq3A_212 = vector.broadcast %eq3A_211 : i32 to vector<16xi32>
      %eq3A_213 = arith.cmpi eq, %iota3A, %eq3A_212 : vector<16xi32>
      %jit3A_214 = arith.constant 0.000000e+00 : f32
      %broadcast_in_dim3A_215 = vector.broadcast %squeeze3A_208 : f32 to vector<16xf32>
      %broadcast_in_dim3A_216 = vector.broadcast %jit3A_214 : f32 to vector<16xf32>
      %select_n3A_217 = arith.select %eq3A_213, %broadcast_in_dim3A_215, %broadcast_in_dim3A_216 : vector<16xi1>, vector<16xf32>
      %add3A_218 = arith.addf %get3A_210, %select_n3A_217 : vector<16xf32>
      %swap3A_219 = arith.index_cast %squeeze3A_206 : i32 to index
      %swap3A_220 = tpu.vector_load %arg17[%swap3A_219] {strides = array<i32>} : memref<1024xf32, #tpu.memory_space<vmem>>, vector<16xf32>,
      tpu.vector_store %arg17[%swap3A_219], %add3A_218 {strides = array<i32>} : memref<1024xf32, #tpu.memory_space<vmem>>, vector<16xf32>,
      %slice3A_221 = vector.extract_strided_slice %get3A_183 {offsets = [2], sizes = [1], strides = [1]} : vector<16xi32> to vector<1xi32>
      %squeeze3A_222 = vector.extract %slice3A_221[0] : i32 from vector<1xi32>
      %slice3A_223 = vector.extract_strided_slice %get3A_187 {offsets = [2], sizes = [1], strides = [1]} : vector<16xf32> to vector<1xf32>
      %squeeze3A_224 = vector.extract %slice3A_223[0] : f32 from vector<1xf32>
      %get3A_225 = arith.index_cast %squeeze3A_222 : i32 to index
      %get3A_226 = tpu.vector_load %arg17[%get3A_225] {strides = array<i32>} : memref<1024xf32, #tpu.memory_space<vmem>>, vector<16xf32>,
      %eq3A_227 = arith.constant 0 : i32
      %eq3A_228 = vector.broadcast %eq3A_227 : i32 to vector<16xi32>
      %eq3A_229 = arith.cmpi eq, %iota3A, %eq3A_228 : vector<16xi32>
      %jit3A_230 = arith.constant 0.000000e+00 : f32
      %broadcast_in_dim3A_231 = vector.broadcast %squeeze3A_224 : f32 to vector<16xf32>
      %broadcast_in_dim3A_232 = vector.broadcast %jit3A_230 : f32 to vector<16xf32>
      %select_n3A_233 = arith.select %eq3A_229, %broadcast_in_dim3A_231, %broadcast_in_dim3A_232 : vector<16xi1>, vector<16xf32>
      %add3A_234 = arith.addf %get3A_226, %select_n3A_233 : vector<16xf32>
      %swap3A_235 = arith.index_cast %squeeze3A_222 : i32 to index
      %swap3A_236 = tpu.vector_load %arg17[%swap3A_235] {strides = array<i32>} : memref<1024xf32, #tpu.memory_space<vmem>>, vector<16xf32>,
      tpu.vector_store %arg17[%swap3A_235], %add3A_234 {strides = array<i32>} : memref<1024xf32, #tpu.memory_space<vmem>>, vector<16xf32>,
      %slice3A_237 = vector.extract_strided_slice %get3A_183 {offsets = [3], sizes = [1], strides = [1]} : vector<16xi32> to vector<1xi32>
      %squeeze3A_238 = vector.extract %slice3A_237[0] : i32 from vector<1xi32>
      %slice3A_239 = vector.extract_strided_slice %get3A_187 {offsets = [3], sizes = [1], strides = [1]} : vector<16xf32> to vector<1xf32>
      %squeeze3A_240 = vector.extract %slice3A_239[0] : f32 from vector<1xf32>
      %get3A_241 = arith.index_cast %squeeze3A_238 : i32 to index
      %get3A_242 = tpu.vector_load %arg17[%get3A_241] {strides = array<i32>} : memref<1024xf32, #tpu.memory_space<vmem>>, vector<16xf32>,
      %eq3A_243 = arith.constant 0 : i32
      %eq3A_244 = vector.broadcast %eq3A_243 : i32 to vector<16xi32>
      %eq3A_245 = arith.cmpi eq, %iota3A, %eq3A_244 : vector<16xi32>
      %jit3A_246 = arith.constant 0.000000e+00 : f32
      %broadcast_in_dim3A_247 = vector.broadcast %squeeze3A_240 : f32 to vector<16xf32>
      %broadcast_in_dim3A_248 = vector.broadcast %jit3A_246 : f32 to vector<16xf32>
      %select_n3A_249 = arith.select %eq3A_245, %broadcast_in_dim3A_247, %broadcast_in_dim3A_248 : vector<16xi1>, vector<16xf32>
      %add3A_250 = arith.addf %get3A_242, %select_n3A_249 : vector<16xf32>
      %swap3A_251 = arith.index_cast %squeeze3A_238 : i32 to index
      %swap3A_252 = tpu.vector_load %arg17[%swap3A_251] {strides = array<i32>} : memref<1024xf32, #tpu.memory_space<vmem>>, vector<16xf32>,
      tpu.vector_store %arg17[%swap3A_251], %add3A_250 {strides = array<i32>} : memref<1024xf32, #tpu.memory_space<vmem>>, vector<16xf32>,
      %slice3A_253 = vector.extract_strided_slice %get3A_183 {offsets = [4], sizes = [1], strides = [1]} : vector<16xi32> to vector<1xi32>
      %squeeze3A_254 = vector.extract %slice3A_253[0] : i32 from vector<1xi32>
      %slice3A_255 = vector.extract_strided_slice %get3A_187 {offsets = [4], sizes = [1], strides = [1]} : vector<16xf32> to vector<1xf32>
      %squeeze3A_256 = vector.extract %slice3A_255[0] : f32 from vector<1xf32>
      %get3A_257 = arith.index_cast %squeeze3A_254 : i32 to index
      %get3A_258 = tpu.vector_load %arg17[%get3A_257] {strides = array<i32>} : memref<1024xf32, #tpu.memory_space<vmem>>, vector<16xf32>,
      %eq3A_259 = arith.constant 0 : i32
      %eq3A_260 = vector.broadcast %eq3A_259 : i32 to vector<16xi32>
      %eq3A_261 = arith.cmpi eq, %iota3A, %eq3A_260 : vector<16xi32>
      %jit3A_262 = arith.constant 0.000000e+00 : f32
      %broadcast_in_dim3A_263 = vector.broadcast %squeeze3A_256 : f32 to vector<16xf32>
      %broadcast_in_dim3A_264 = vector.broadcast %jit3A_262 : f32 to vector<16xf32>
      %select_n3A_265 = arith.select %eq3A_261, %broadcast_in_dim3A_263, %broadcast_in_dim3A_264 : vector<16xi1>, vector<16xf32>
      %add3A_266 = arith.addf %get3A_258, %select_n3A_265 : vector<16xf32>
      %swap3A_267 = arith.index_cast %squeeze3A_254 : i32 to index
      %swap3A_268 = tpu.vector_load %arg17[%swap3A_267] {strides = array<i32>} : memref<1024xf32, #tpu.memory_space<vmem>>, vector<16xf32>,
      tpu.vector_store %arg17[%swap3A_267], %add3A_266 {strides = array<i32>} : memref<1024xf32, #tpu.memory_space<vmem>>, vector<16xf32>,
      %slice3A_269 = vector.extract_strided_slice %get3A_183 {offsets = [5], sizes = [1], strides = [1]} : vector<16xi32> to vector<1xi32>
      %squeeze3A_270 = vector.extract %slice3A_269[0] : i32 from vector<1xi32>
      %slice3A_271 = vector.extract_strided_slice %get3A_187 {offsets = [5], sizes = [1], strides = [1]} : vector<16xf32> to vector<1xf32>
      %squeeze3A_272 = vector.extract %slice3A_271[0] : f32 from vector<1xf32>
      %get3A_273 = arith.index_cast %squeeze3A_270 : i32 to index
      %get3A_274 = tpu.vector_load %arg17[%get3A_273] {strides = array<i32>} : memref<1024xf32, #tpu.memory_space<vmem>>, vector<16xf32>,
      %eq3A_275 = arith.constant 0 : i32
      %eq3A_276 = vector.broadcast %eq3A_275 : i32 to vector<16xi32>
      %eq3A_277 = arith.cmpi eq, %iota3A, %eq3A_276 : vector<16xi32>
      %jit3A_278 = arith.constant 0.000000e+00 : f32
      %broadcast_in_dim3A_279 = vector.broadcast %squeeze3A_272 : f32 to vector<16xf32>
      %broadcast_in_dim3A_280 = vector.broadcast %jit3A_278 : f32 to vector<16xf32>
      %select_n3A_281 = arith.select %eq3A_277, %broadcast_in_dim3A_279, %broadcast_in_dim3A_280 : vector<16xi1>, vector<16xf32>
      %add3A_282 = arith.addf %get3A_274, %select_n3A_281 : vector<16xf32>
      %swap3A_283 = arith.index_cast %squeeze3A_270 : i32 to index
      %swap3A_284 = tpu.vector_load %arg17[%swap3A_283] {strides = array<i32>} : memref<1024xf32, #tpu.memory_space<vmem>>, vector<16xf32>,
      tpu.vector_store %arg17[%swap3A_283], %add3A_282 {strides = array<i32>} : memref<1024xf32, #tpu.memory_space<vmem>>, vector<16xf32>,
      %slice3A_285 = vector.extract_strided_slice %get3A_183 {offsets = [6], sizes = [1], strides = [1]} : vector<16xi32> to vector<1xi32>
      %squeeze3A_286 = vector.extract %slice3A_285[0] : i32 from vector<1xi32>
      %slice3A_287 = vector.extract_strided_slice %get3A_187 {offsets = [6], sizes = [1], strides = [1]} : vector<16xf32> to vector<1xf32>
      %squeeze3A_288 = vector.extract %slice3A_287[0] : f32 from vector<1xf32>
      %get3A_289 = arith.index_cast %squeeze3A_286 : i32 to index
      %get3A_290 = tpu.vector_load %arg17[%get3A_289] {strides = array<i32>} : memref<1024xf32, #tpu.memory_space<vmem>>, vector<16xf32>,
      %eq3A_291 = arith.constant 0 : i32
      %eq3A_292 = vector.broadcast %eq3A_291 : i32 to vector<16xi32>
      %eq3A_293 = arith.cmpi eq, %iota3A, %eq3A_292 : vector<16xi32>
      %jit3A_294 = arith.constant 0.000000e+00 : f32
      %broadcast_in_dim3A_295 = vector.broadcast %squeeze3A_288 : f32 to vector<16xf32>
      %broadcast_in_dim3A_296 = vector.broadcast %jit3A_294 : f32 to vector<16xf32>
      %select_n3A_297 = arith.select %eq3A_293, %broadcast_in_dim3A_295, %broadcast_in_dim3A_296 : vector<16xi1>, vector<16xf32>
      %add3A_298 = arith.addf %get3A_290, %select_n3A_297 : vector<16xf32>
      %swap3A_299 = arith.index_cast %squeeze3A_286 : i32 to index
      %swap3A_300 = tpu.vector_load %arg17[%swap3A_299] {strides = array<i32>} : memref<1024xf32, #tpu.memory_space<vmem>>, vector<16xf32>,
      tpu.vector_store %arg17[%swap3A_299], %add3A_298 {strides = array<i32>} : memref<1024xf32, #tpu.memory_space<vmem>>, vector<16xf32>,
      %slice3A_301 = vector.extract_strided_slice %get3A_183 {offsets = [7], sizes = [1], strides = [1]} : vector<16xi32> to vector<1xi32>
      %squeeze3A_302 = vector.extract %slice3A_301[0] : i32 from vector<1xi32>
      %slice3A_303 = vector.extract_strided_slice %get3A_187 {offsets = [7], sizes = [1], strides = [1]} : vector<16xf32> to vector<1xf32>
      %squeeze3A_304 = vector.extract %slice3A_303[0] : f32 from vector<1xf32>
      %get3A_305 = arith.index_cast %squeeze3A_302 : i32 to index
      %get3A_306 = tpu.vector_load %arg17[%get3A_305] {strides = array<i32>} : memref<1024xf32, #tpu.memory_space<vmem>>, vector<16xf32>,
      %eq3A_307 = arith.constant 0 : i32
      %eq3A_308 = vector.broadcast %eq3A_307 : i32 to vector<16xi32>
      %eq3A_309 = arith.cmpi eq, %iota3A, %eq3A_308 : vector<16xi32>
      %jit3A_310 = arith.constant 0.000000e+00 : f32
      %broadcast_in_dim3A_311 = vector.broadcast %squeeze3A_304 : f32 to vector<16xf32>
      %broadcast_in_dim3A_312 = vector.broadcast %jit3A_310 : f32 to vector<16xf32>
      %select_n3A_313 = arith.select %eq3A_309, %broadcast_in_dim3A_311, %broadcast_in_dim3A_312 : vector<16xi1>, vector<16xf32>
      %add3A_314 = arith.addf %get3A_306, %select_n3A_313 : vector<16xf32>
      %swap3A_315 = arith.index_cast %squeeze3A_302 : i32 to index
      %swap3A_316 = tpu.vector_load %arg17[%swap3A_315] {strides = array<i32>} : memref<1024xf32, #tpu.memory_space<vmem>>, vector<16xf32>,
      tpu.vector_store %arg17[%swap3A_315], %add3A_314 {strides = array<i32>} : memref<1024xf32, #tpu.memory_space<vmem>>, vector<16xf32>,
      %slice3A_317 = vector.extract_strided_slice %get3A_183 {offsets = [8], sizes = [1], strides = [1]} : vector<16xi32> to vector<1xi32>
      %squeeze3A_318 = vector.extract %slice3A_317[0] : i32 from vector<1xi32>
      %slice3A_319 = vector.extract_strided_slice %get3A_187 {offsets = [8], sizes = [1], strides = [1]} : vector<16xf32> to vector<1xf32>
      %squeeze3A_320 = vector.extract %slice3A_319[0] : f32 from vector<1xf32>
      %get3A_321 = arith.index_cast %squeeze3A_318 : i32 to index
      %get3A_322 = tpu.vector_load %arg17[%get3A_321] {strides = array<i32>} : memref<1024xf32, #tpu.memory_space<vmem>>, vector<16xf32>,
      %eq3A_323 = arith.constant 0 : i32
      %eq3A_324 = vector.broadcast %eq3A_323 : i32 to vector<16xi32>
      %eq3A_325 = arith.cmpi eq, %iota3A, %eq3A_324 : vector<16xi32>
      %jit3A_326 = arith.constant 0.000000e+00 : f32
      %broadcast_in_dim3A_327 = vector.broadcast %squeeze3A_320 : f32 to vector<16xf32>
      %broadcast_in_dim3A_328 = vector.broadcast %jit3A_326 : f32 to vector<16xf32>
      %select_n3A_329 = arith.select %eq3A_325, %broadcast_in_dim3A_327, %broadcast_in_dim3A_328 : vector<16xi1>, vector<16xf32>
      %add3A_330 = arith.addf %get3A_322, %select_n3A_329 : vector<16xf32>
      %swap3A_331 = arith.index_cast %squeeze3A_318 : i32 to index
      %swap3A_332 = tpu.vector_load %arg17[%swap3A_331] {strides = array<i32>} : memref<1024xf32, #tpu.memory_space<vmem>>, vector<16xf32>,
      tpu.vector_store %arg17[%swap3A_331], %add3A_330 {strides = array<i32>} : memref<1024xf32, #tpu.memory_space<vmem>>, vector<16xf32>,
      %slice3A_333 = vector.extract_strided_slice %get3A_183 {offsets = [9], sizes = [1], strides = [1]} : vector<16xi32> to vector<1xi32>
      %squeeze3A_334 = vector.extract %slice3A_333[0] : i32 from vector<1xi32>
      %slice3A_335 = vector.extract_strided_slice %get3A_187 {offsets = [9], sizes = [1], strides = [1]} : vector<16xf32> to vector<1xf32>
      %squeeze3A_336 = vector.extract %slice3A_335[0] : f32 from vector<1xf32>
      %get3A_337 = arith.index_cast %squeeze3A_334 : i32 to index
      %get3A_338 = tpu.vector_load %arg17[%get3A_337] {strides = array<i32>} : memref<1024xf32, #tpu.memory_space<vmem>>, vector<16xf32>,
      %eq3A_339 = arith.constant 0 : i32
      %eq3A_340 = vector.broadcast %eq3A_339 : i32 to vector<16xi32>
      %eq3A_341 = arith.cmpi eq, %iota3A, %eq3A_340 : vector<16xi32>
      %jit3A_342 = arith.constant 0.000000e+00 : f32
      %broadcast_in_dim3A_343 = vector.broadcast %squeeze3A_336 : f32 to vector<16xf32>
      %broadcast_in_dim3A_344 = vector.broadcast %jit3A_342 : f32 to vector<16xf32>
      %select_n3A_345 = arith.select %eq3A_341, %broadcast_in_dim3A_343, %broadcast_in_dim3A_344 : vector<16xi1>, vector<16xf32>
      %add3A_346 = arith.addf %get3A_338, %select_n3A_345 : vector<16xf32>
      %swap3A_347 = arith.index_cast %squeeze3A_334 : i32 to index
      %swap3A_348 = tpu.vector_load %arg17[%swap3A_347] {strides = array<i32>} : memref<1024xf32, #tpu.memory_space<vmem>>, vector<16xf32>,
      tpu.vector_store %arg17[%swap3A_347], %add3A_346 {strides = array<i32>} : memref<1024xf32, #tpu.memory_space<vmem>>, vector<16xf32>,
      %slice3A_349 = vector.extract_strided_slice %get3A_183 {offsets = [10], sizes = [1], strides = [1]} : vector<16xi32> to vector<1xi32>
      %squeeze3A_350 = vector.extract %slice3A_349[0] : i32 from vector<1xi32>
      %slice3A_351 = vector.extract_strided_slice %get3A_187 {offsets = [10], sizes = [1], strides = [1]} : vector<16xf32> to vector<1xf32>
      %squeeze3A_352 = vector.extract %slice3A_351[0] : f32 from vector<1xf32>
      %get3A_353 = arith.index_cast %squeeze3A_350 : i32 to index
      %get3A_354 = tpu.vector_load %arg17[%get3A_353] {strides = array<i32>} : memref<1024xf32, #tpu.memory_space<vmem>>, vector<16xf32>,
      %eq3A_355 = arith.constant 0 : i32
      %eq3A_356 = vector.broadcast %eq3A_355 : i32 to vector<16xi32>
      %eq3A_357 = arith.cmpi eq, %iota3A, %eq3A_356 : vector<16xi32>
      %jit3A_358 = arith.constant 0.000000e+00 : f32
      %broadcast_in_dim3A_359 = vector.broadcast %squeeze3A_352 : f32 to vector<16xf32>
      %broadcast_in_dim3A_360 = vector.broadcast %jit3A_358 : f32 to vector<16xf32>
      %select_n3A_361 = arith.select %eq3A_357, %broadcast_in_dim3A_359, %broadcast_in_dim3A_360 : vector<16xi1>, vector<16xf32>
      %add3A_362 = arith.addf %get3A_354, %select_n3A_361 : vector<16xf32>
      %swap3A_363 = arith.index_cast %squeeze3A_350 : i32 to index
      %swap3A_364 = tpu.vector_load %arg17[%swap3A_363] {strides = array<i32>} : memref<1024xf32, #tpu.memory_space<vmem>>, vector<16xf32>,
      tpu.vector_store %arg17[%swap3A_363], %add3A_362 {strides = array<i32>} : memref<1024xf32, #tpu.memory_space<vmem>>, vector<16xf32>,
      %slice3A_365 = vector.extract_strided_slice %get3A_183 {offsets = [11], sizes = [1], strides = [1]} : vector<16xi32> to vector<1xi32>
      %squeeze3A_366 = vector.extract %slice3A_365[0] : i32 from vector<1xi32>
      %slice3A_367 = vector.extract_strided_slice %get3A_187 {offsets = [11], sizes = [1], strides = [1]} : vector<16xf32> to vector<1xf32>
      %squeeze3A_368 = vector.extract %slice3A_367[0] : f32 from vector<1xf32>
      %get3A_369 = arith.index_cast %squeeze3A_366 : i32 to index
      %get3A_370 = tpu.vector_load %arg17[%get3A_369] {strides = array<i32>} : memref<1024xf32, #tpu.memory_space<vmem>>, vector<16xf32>,
      %eq3A_371 = arith.constant 0 : i32
      %eq3A_372 = vector.broadcast %eq3A_371 : i32 to vector<16xi32>
      %eq3A_373 = arith.cmpi eq, %iota3A, %eq3A_372 : vector<16xi32>
      %jit3A_374 = arith.constant 0.000000e+00 : f32
      %broadcast_in_dim3A_375 = vector.broadcast %squeeze3A_368 : f32 to vector<16xf32>
      %broadcast_in_dim3A_376 = vector.broadcast %jit3A_374 : f32 to vector<16xf32>
      %select_n3A_377 = arith.select %eq3A_373, %broadcast_in_dim3A_375, %broadcast_in_dim3A_376 : vector<16xi1>, vector<16xf32>
      %add3A_378 = arith.addf %get3A_370, %select_n3A_377 : vector<16xf32>
      %swap3A_379 = arith.index_cast %squeeze3A_366 : i32 to index
      %swap3A_380 = tpu.vector_load %arg17[%swap3A_379] {strides = array<i32>} : memref<1024xf32, #tpu.memory_space<vmem>>, vector<16xf32>,
      tpu.vector_store %arg17[%swap3A_379], %add3A_378 {strides = array<i32>} : memref<1024xf32, #tpu.memory_space<vmem>>, vector<16xf32>,
      %slice3A_381 = vector.extract_strided_slice %get3A_183 {offsets = [12], sizes = [1], strides = [1]} : vector<16xi32> to vector<1xi32>
      %squeeze3A_382 = vector.extract %slice3A_381[0] : i32 from vector<1xi32>
      %slice3A_383 = vector.extract_strided_slice %get3A_187 {offsets = [12], sizes = [1], strides = [1]} : vector<16xf32> to vector<1xf32>
      %squeeze3A_384 = vector.extract %slice3A_383[0] : f32 from vector<1xf32>
      %get3A_385 = arith.index_cast %squeeze3A_382 : i32 to index
      %get3A_386 = tpu.vector_load %arg17[%get3A_385] {strides = array<i32>} : memref<1024xf32, #tpu.memory_space<vmem>>, vector<16xf32>,
      %eq3A_387 = arith.constant 0 : i32
      %eq3A_388 = vector.broadcast %eq3A_387 : i32 to vector<16xi32>
      %eq3A_389 = arith.cmpi eq, %iota3A, %eq3A_388 : vector<16xi32>
      %jit3A_390 = arith.constant 0.000000e+00 : f32
      %broadcast_in_dim3A_391 = vector.broadcast %squeeze3A_384 : f32 to vector<16xf32>
      %broadcast_in_dim3A_392 = vector.broadcast %jit3A_390 : f32 to vector<16xf32>
      %select_n3A_393 = arith.select %eq3A_389, %broadcast_in_dim3A_391, %broadcast_in_dim3A_392 : vector<16xi1>, vector<16xf32>
      %add3A_394 = arith.addf %get3A_386, %select_n3A_393 : vector<16xf32>
      %swap3A_395 = arith.index_cast %squeeze3A_382 : i32 to index
      %swap3A_396 = tpu.vector_load %arg17[%swap3A_395] {strides = array<i32>} : memref<1024xf32, #tpu.memory_space<vmem>>, vector<16xf32>,
      tpu.vector_store %arg17[%swap3A_395], %add3A_394 {strides = array<i32>} : memref<1024xf32, #tpu.memory_space<vmem>>, vector<16xf32>,
      %slice3A_397 = vector.extract_strided_slice %get3A_183 {offsets = [13], sizes = [1], strides = [1]} : vector<16xi32> to vector<1xi32>
      %squeeze3A_398 = vector.extract %slice3A_397[0] : i32 from vector<1xi32>
      %slice3A_399 = vector.extract_strided_slice %get3A_187 {offsets = [13], sizes = [1], strides = [1]} : vector<16xf32> to vector<1xf32>
      %squeeze3A_400 = vector.extract %slice3A_399[0] : f32 from vector<1xf32>
      %get3A_401 = arith.index_cast %squeeze3A_398 : i32 to index
      %get3A_402 = tpu.vector_load %arg17[%get3A_401] {strides = array<i32>} : memref<1024xf32, #tpu.memory_space<vmem>>, vector<16xf32>,
      %eq3A_403 = arith.constant 0 : i32
      %eq3A_404 = vector.broadcast %eq3A_403 : i32 to vector<16xi32>
      %eq3A_405 = arith.cmpi eq, %iota3A, %eq3A_404 : vector<16xi32>
      %jit3A_406 = arith.constant 0.000000e+00 : f32
      %broadcast_in_dim3A_407 = vector.broadcast %squeeze3A_400 : f32 to vector<16xf32>
      %broadcast_in_dim3A_408 = vector.broadcast %jit3A_406 : f32 to vector<16xf32>
      %select_n3A_409 = arith.select %eq3A_405, %broadcast_in_dim3A_407, %broadcast_in_dim3A_408 : vector<16xi1>, vector<16xf32>
      %add3A_410 = arith.addf %get3A_402, %select_n3A_409 : vector<16xf32>
      %swap3A_411 = arith.index_cast %squeeze3A_398 : i32 to index
      %swap3A_412 = tpu.vector_load %arg17[%swap3A_411] {strides = array<i32>} : memref<1024xf32, #tpu.memory_space<vmem>>, vector<16xf32>,
      tpu.vector_store %arg17[%swap3A_411], %add3A_410 {strides = array<i32>} : memref<1024xf32, #tpu.memory_space<vmem>>, vector<16xf32>,
      %slice3A_413 = vector.extract_strided_slice %get3A_183 {offsets = [14], sizes = [1], strides = [1]} : vector<16xi32> to vector<1xi32>
      %squeeze3A_414 = vector.extract %slice3A_413[0] : i32 from vector<1xi32>
      %slice3A_415 = vector.extract_strided_slice %get3A_187 {offsets = [14], sizes = [1], strides = [1]} : vector<16xf32> to vector<1xf32>
      %squeeze3A_416 = vector.extract %slice3A_415[0] : f32 from vector<1xf32>
      %get3A_417 = arith.index_cast %squeeze3A_414 : i32 to index
      %get3A_418 = tpu.vector_load %arg17[%get3A_417] {strides = array<i32>} : memref<1024xf32, #tpu.memory_space<vmem>>, vector<16xf32>,
      %eq3A_419 = arith.constant 0 : i32
      %eq3A_420 = vector.broadcast %eq3A_419 : i32 to vector<16xi32>
      %eq3A_421 = arith.cmpi eq, %iota3A, %eq3A_420 : vector<16xi32>
      %jit3A_422 = arith.constant 0.000000e+00 : f32
      %broadcast_in_dim3A_423 = vector.broadcast %squeeze3A_416 : f32 to vector<16xf32>
      %broadcast_in_dim3A_424 = vector.broadcast %jit3A_422 : f32 to vector<16xf32>
      %select_n3A_425 = arith.select %eq3A_421, %broadcast_in_dim3A_423, %broadcast_in_dim3A_424 : vector<16xi1>, vector<16xf32>
      %add3A_426 = arith.addf %get3A_418, %select_n3A_425 : vector<16xf32>
      %swap3A_427 = arith.index_cast %squeeze3A_414 : i32 to index
      %swap3A_428 = tpu.vector_load %arg17[%swap3A_427] {strides = array<i32>} : memref<1024xf32, #tpu.memory_space<vmem>>, vector<16xf32>,
      tpu.vector_store %arg17[%swap3A_427], %add3A_426 {strides = array<i32>} : memref<1024xf32, #tpu.memory_space<vmem>>, vector<16xf32>,
      %slice3A_429 = vector.extract_strided_slice %get3A_183 {offsets = [15], sizes = [1], strides = [1]} : vector<16xi32> to vector<1xi32>
      %squeeze3A_430 = vector.extract %slice3A_429[0] : i32 from vector<1xi32>
      %slice3A_431 = vector.extract_strided_slice %get3A_187 {offsets = [15], sizes = [1], strides = [1]} : vector<16xf32> to vector<1xf32>
      %squeeze3A_432 = vector.extract %slice3A_431[0] : f32 from vector<1xf32>
      %get3A_433 = arith.index_cast %squeeze3A_430 : i32 to index
      %get3A_434 = tpu.vector_load %arg17[%get3A_433] {strides = array<i32>} : memref<1024xf32, #tpu.memory_space<vmem>>, vector<16xf32>,
      %eq3A_435 = arith.constant 0 : i32
      %eq3A_436 = vector.broadcast %eq3A_435 : i32 to vector<16xi32>
      %eq3A_437 = arith.cmpi eq, %iota3A, %eq3A_436 : vector<16xi32>
      %jit3A_438 = arith.constant 0.000000e+00 : f32
      %broadcast_in_dim3A_439 = vector.broadcast %squeeze3A_432 : f32 to vector<16xf32>
      %broadcast_in_dim3A_440 = vector.broadcast %jit3A_438 : f32 to vector<16xf32>
      %select_n3A_441 = arith.select %eq3A_437, %broadcast_in_dim3A_439, %broadcast_in_dim3A_440 : vector<16xi1>, vector<16xf32>
      %add3A_442 = arith.addf %get3A_434, %select_n3A_441 : vector<16xf32>
      %swap3A_443 = arith.index_cast %squeeze3A_430 : i32 to index
      %swap3A_444 = tpu.vector_load %arg17[%swap3A_443] {strides = array<i32>} : memref<1024xf32, #tpu.memory_space<vmem>>, vector<16xf32>,
      tpu.vector_store %arg17[%swap3A_443], %add3A_442 {strides = array<i32>} : memref<1024xf32, #tpu.memory_space<vmem>>, vector<16xf32>,
      %slice3A_445 = vector.extract_strided_slice %get3A_185 {offsets = [0], sizes = [1], strides = [1]} : vector<16xi32> to vector<1xi32>
      %squeeze3A_446 = vector.extract %slice3A_445[0] : i32 from vector<1xi32>
      %slice3A_447 = vector.extract_strided_slice %get3A_189 {offsets = [0], sizes = [1], strides = [1]} : vector<16xf32> to vector<1xf32>
      %squeeze3A_448 = vector.extract %slice3A_447[0] : f32 from vector<1xf32>
      %get3A_449 = arith.index_cast %squeeze3A_446 : i32 to index
      %get3A_450 = tpu.vector_load %arg17[%get3A_449] {strides = array<i32>} : memref<1024xf32, #tpu.memory_space<vmem>>, vector<16xf32>,
      %eq3A_451 = arith.constant 0 : i32
      %eq3A_452 = vector.broadcast %eq3A_451 : i32 to vector<16xi32>
      %eq3A_453 = arith.cmpi eq, %iota3A, %eq3A_452 : vector<16xi32>
      %jit3A_454 = arith.constant 0.000000e+00 : f32
      %broadcast_in_dim3A_455 = vector.broadcast %squeeze3A_448 : f32 to vector<16xf32>
      %broadcast_in_dim3A_456 = vector.broadcast %jit3A_454 : f32 to vector<16xf32>
      %select_n3A_457 = arith.select %eq3A_453, %broadcast_in_dim3A_455, %broadcast_in_dim3A_456 : vector<16xi1>, vector<16xf32>
      %add3A_458 = arith.addf %get3A_450, %select_n3A_457 : vector<16xf32>
      %swap3A_459 = arith.index_cast %squeeze3A_446 : i32 to index
      %swap3A_460 = tpu.vector_load %arg17[%swap3A_459] {strides = array<i32>} : memref<1024xf32, #tpu.memory_space<vmem>>, vector<16xf32>,
      tpu.vector_store %arg17[%swap3A_459], %add3A_458 {strides = array<i32>} : memref<1024xf32, #tpu.memory_space<vmem>>, vector<16xf32>,
      %slice3A_461 = vector.extract_strided_slice %get3A_185 {offsets = [1], sizes = [1], strides = [1]} : vector<16xi32> to vector<1xi32>
      %squeeze3A_462 = vector.extract %slice3A_461[0] : i32 from vector<1xi32>
      %slice3A_463 = vector.extract_strided_slice %get3A_189 {offsets = [1], sizes = [1], strides = [1]} : vector<16xf32> to vector<1xf32>
      %squeeze3A_464 = vector.extract %slice3A_463[0] : f32 from vector<1xf32>
      %get3A_465 = arith.index_cast %squeeze3A_462 : i32 to index
      %get3A_466 = tpu.vector_load %arg17[%get3A_465] {strides = array<i32>} : memref<1024xf32, #tpu.memory_space<vmem>>, vector<16xf32>,
      %eq3A_467 = arith.constant 0 : i32
      %eq3A_468 = vector.broadcast %eq3A_467 : i32 to vector<16xi32>
      %eq3A_469 = arith.cmpi eq, %iota3A, %eq3A_468 : vector<16xi32>
      %jit3A_470 = arith.constant 0.000000e+00 : f32
      %broadcast_in_dim3A_471 = vector.broadcast %squeeze3A_464 : f32 to vector<16xf32>
      %broadcast_in_dim3A_472 = vector.broadcast %jit3A_470 : f32 to vector<16xf32>
      %select_n3A_473 = arith.select %eq3A_469, %broadcast_in_dim3A_471, %broadcast_in_dim3A_472 : vector<16xi1>, vector<16xf32>
      %add3A_474 = arith.addf %get3A_466, %select_n3A_473 : vector<16xf32>
      %swap3A_475 = arith.index_cast %squeeze3A_462 : i32 to index
      %swap3A_476 = tpu.vector_load %arg17[%swap3A_475] {strides = array<i32>} : memref<1024xf32, #tpu.memory_space<vmem>>, vector<16xf32>,
      tpu.vector_store %arg17[%swap3A_475], %add3A_474 {strides = array<i32>} : memref<1024xf32, #tpu.memory_space<vmem>>, vector<16xf32>,
      %slice3A_477 = vector.extract_strided_slice %get3A_185 {offsets = [2], sizes = [1], strides = [1]} : vector<16xi32> to vector<1xi32>
      %squeeze3A_478 = vector.extract %slice3A_477[0] : i32 from vector<1xi32>
      %slice3A_479 = vector.extract_strided_slice %get3A_189 {offsets = [2], sizes = [1], strides = [1]} : vector<16xf32> to vector<1xf32>
      %squeeze3A_480 = vector.extract %slice3A_479[0] : f32 from vector<1xf32>
      %get3A_481 = arith.index_cast %squeeze3A_478 : i32 to index
      %get3A_482 = tpu.vector_load %arg17[%get3A_481] {strides = array<i32>} : memref<1024xf32, #tpu.memory_space<vmem>>, vector<16xf32>,
      %eq3A_483 = arith.constant 0 : i32
      %eq3A_484 = vector.broadcast %eq3A_483 : i32 to vector<16xi32>
      %eq3A_485 = arith.cmpi eq, %iota3A, %eq3A_484 : vector<16xi32>
      %jit3A_486 = arith.constant 0.000000e+00 : f32
      %broadcast_in_dim3A_487 = vector.broadcast %squeeze3A_480 : f32 to vector<16xf32>
      %broadcast_in_dim3A_488 = vector.broadcast %jit3A_486 : f32 to vector<16xf32>
      %select_n3A_489 = arith.select %eq3A_485, %broadcast_in_dim3A_487, %broadcast_in_dim3A_488 : vector<16xi1>, vector<16xf32>
      %add3A_490 = arith.addf %get3A_482, %select_n3A_489 : vector<16xf32>
      %swap3A_491 = arith.index_cast %squeeze3A_478 : i32 to index
      %swap3A_492 = tpu.vector_load %arg17[%swap3A_491] {strides = array<i32>} : memref<1024xf32, #tpu.memory_space<vmem>>, vector<16xf32>,
      tpu.vector_store %arg17[%swap3A_491], %add3A_490 {strides = array<i32>} : memref<1024xf32, #tpu.memory_space<vmem>>, vector<16xf32>,
      %slice3A_493 = vector.extract_strided_slice %get3A_185 {offsets = [3], sizes = [1], strides = [1]} : vector<16xi32> to vector<1xi32>
      %squeeze3A_494 = vector.extract %slice3A_493[0] : i32 from vector<1xi32>
      %slice3A_495 = vector.extract_strided_slice %get3A_189 {offsets = [3], sizes = [1], strides = [1]} : vector<16xf32> to vector<1xf32>
      %squeeze3A_496 = vector.extract %slice3A_495[0] : f32 from vector<1xf32>
      %get3A_497 = arith.index_cast %squeeze3A_494 : i32 to index
      %get3A_498 = tpu.vector_load %arg17[%get3A_497] {strides = array<i32>} : memref<1024xf32, #tpu.memory_space<vmem>>, vector<16xf32>,
      %eq3A_499 = arith.constant 0 : i32
      %eq3A_500 = vector.broadcast %eq3A_499 : i32 to vector<16xi32>
      %eq3A_501 = arith.cmpi eq, %iota3A, %eq3A_500 : vector<16xi32>
      %jit3A_502 = arith.constant 0.000000e+00 : f32
      %broadcast_in_dim3A_503 = vector.broadcast %squeeze3A_496 : f32 to vector<16xf32>
      %broadcast_in_dim3A_504 = vector.broadcast %jit3A_502 : f32 to vector<16xf32>
      %select_n3A_505 = arith.select %eq3A_501, %broadcast_in_dim3A_503, %broadcast_in_dim3A_504 : vector<16xi1>, vector<16xf32>
      %add3A_506 = arith.addf %get3A_498, %select_n3A_505 : vector<16xf32>
      %swap3A_507 = arith.index_cast %squeeze3A_494 : i32 to index
      %swap3A_508 = tpu.vector_load %arg17[%swap3A_507] {strides = array<i32>} : memref<1024xf32, #tpu.memory_space<vmem>>, vector<16xf32>,
      tpu.vector_store %arg17[%swap3A_507], %add3A_506 {strides = array<i32>} : memref<1024xf32, #tpu.memory_space<vmem>>, vector<16xf32>,
      %scan3A_509 = arith.constant 0 : i32
      %scan3A_510 = arith.constant 64 : i32
      %scan3A_511 = arith.addi %scan3A_509, %scan3A_510 : i32
      %scan3A_512 = arith.constant 1 : i32
      scf.for %scan3A_514 = %scan3A_509 to %scan3A_511 step %scan3A_512  : i32 {
        %mul3A_515 = arith.constant 16 : i32
        %mul3A_516 = arith.muli %scan3A_514, %mul3A_515 : i32
        %add3A_517 = arith.constant 0 : i32
        %add3A_518 = arith.addi %add3A_517, %mul3A_516 : i32
        %get3A_519 = arith.index_cast %add3A_518 : i32 to index
        %get3A_520 = tpu.vector_load %arg17[%get3A_519] {strides = array<i32>} : memref<1024xf32, #tpu.memory_space<vmem>>, vector<16xf32>,
        %add3A_521 = arith.constant 9.99999974E-6 : f32
        %add3A_522 = vector.broadcast %add3A_521 : f32 to vector<16xf32>
        %add3A_523 = arith.addf %get3A_520, %add3A_522 : vector<16xf32>
        %min3A_524 = arith.constant 1.000000e+00 : f32
        %min3A_525 = vector.broadcast %min3A_524 : f32 to vector<16xf32>
        %min3A_526 = arith.minimumf %add3A_523, %min3A_525 : vector<16xf32>
        %swap3A_527 = arith.index_cast %add3A_518 : i32 to index
        %swap3A_528 = tpu.vector_load %arg17[%swap3A_527] {strides = array<i32>} : memref<1024xf32, #tpu.memory_space<vmem>>, vector<16xf32>,
        tpu.vector_store %arg17[%swap3A_527], %min3A_526 {strides = array<i32>} : memref<1024xf32, #tpu.memory_space<vmem>>, vector<16xf32>,
      }
      %scan3A_513 = arith.constant 64 : i32
      "tpu.region"() ({
        %run_scoped3A = tpu.sem_alloc : memref<!tpu.dma_semaphore, #tpu.memory_space<semaphore_mem>>
        %dma_start3A_514 = arith.constant 0 : i32
        %dma_start3A_515 = tpu.memref_slice %arg6[%add3A_22, %dma_start3A_514] : memref<1024x1024xf32, #tpu.memory_space<hbm>> -> memref<1x1024xf32, #tpu.memory_space<hbm>>
        %dma_start3A_516 = tpu.memref_squeeze %dma_start3A_515 : memref<1x1024xf32, #tpu.memory_space<hbm>> -> memref<1024xf32, #tpu.memory_space<hbm>>
        %dma_start3A_517 = arith.constant 0 : i32
        %dma_start3A_518 = tpu.memref_slice %arg6[%add3A_22, %dma_start3A_517] : memref<1024x1024xf32, #tpu.memory_space<hbm>> -> memref<1x1024xf32, #tpu.memory_space<hbm>>
        %dma_start3A_519 = tpu.memref_squeeze %dma_start3A_518 : memref<1x1024xf32, #tpu.memory_space<hbm>> -> memref<1024xf32, #tpu.memory_space<hbm>>
        tpu.enqueue_dma source(%arg17 : memref<1024xf32, #tpu.memory_space<vmem>>) target(%dma_start3A_519 : memref<1024xf32, #tpu.memory_space<hbm>>) target_semaphore(%run_scoped3A : memref<!tpu.dma_semaphore, #tpu.memory_space<semaphore_mem>>)
        %dma_wait3A_520 = arith.constant 0 : i32
        %dma_wait3A_521 = tpu.memref_slice %arg6[%add3A_22, %dma_wait3A_520] : memref<1024x1024xf32, #tpu.memory_space<hbm>> -> memref<1x1024xf32, #tpu.memory_space<hbm>>
        %dma_wait3A_522 = tpu.memref_squeeze %dma_wait3A_521 : memref<1x1024xf32, #tpu.memory_space<hbm>> -> memref<1024xf32, #tpu.memory_space<hbm>>
        %dma_wait3A_523 = arith.constant 0 : i32
        %dma_wait3A_524 = tpu.memref_slice %arg6[%add3A_22, %dma_wait3A_523] : memref<1024x1024xf32, #tpu.memory_space<hbm>> -> memref<1x1024xf32, #tpu.memory_space<hbm>>
        %dma_wait3A_525 = tpu.memref_squeeze %dma_wait3A_524 : memref<1x1024xf32, #tpu.memory_space<hbm>> -> memref<1024xf32, #tpu.memory_space<hbm>>
        tpu.wait_dma2 semaphore(%run_scoped3A : memref<!tpu.dma_semaphore, #tpu.memory_space<semaphore_mem>>) src(%arg17 : memref<1024xf32, #tpu.memory_space<vmem>>) dst(%dma_wait3A_525 : memref<1024xf32, #tpu.memory_space<hbm>>)
        tpu.yield
      }) : () -> ()
    }
    %scan3A_16 = arith.constant 32 : i32
    return
  }
}

module attributes {stable_mosaic.version = 14 : i64} {
  func.func @_dist_body(%arg0: i32, %arg1: memref<1024x16xf32, #tpu.memory_space<vmem>>, %arg2: memref<2048x16xf32, #tpu.memory_space<vmem>>, %arg3: memref<1024x2048xf32, #tpu.memory_space<vmem>>, %arg4: memref<16x1024xf32, #tpu.memory_space<vmem>>) attributes {dimension_semantics = [#tpu.dimension_semantics<arbitrary>], iteration_bounds = array<i64: 49>, scalar_prefetch = 0 : i64, scratch_operands = 0 : i64, tpu.core_type = #tpu.core_type<tc>, window_params = [{pipeline_mode = #tpu.pipeline_mode<synchronous>, transform_indices = @transform_0, window_bounds = array<i64: 1024, 16>}, {transform_indices = @transform_1, window_bounds = array<i64: 2048, 16>}, {transform_indices = @transform_2, window_bounds = array<i64: 1024, 2048>}, {transform_indices = @transform_3, window_bounds = array<i64: 16, 1024>}]} {
    %get3A = arith.constant 0 : index
    %get3A_0 = arith.constant 0 : index
    %get3A_1 = vector.load %arg1[%get3A, %get3A_0] : memref<1024x16xf32, #tpu.memory_space<vmem>>, vector<1024x16xf32>
    %mul3A = arith.mulf %get3A_1, %get3A_1 : vector<1024x16xf32>
    %reduce_sum3A = arith.constant dense<0.000000e+00> : vector<1024xf32>
    %reduce_sum3A_2 = vector.multi_reduction <add>, %mul3A, %reduce_sum3A [1] : vector<1024x16xf32> to vector<1024xf32>
    %broadcast_in_dim3A = vector.shape_cast %reduce_sum3A_2 : vector<1024xf32> to vector<1024x1xf32>
    %sqrt3A = math.sqrt %broadcast_in_dim3A : vector<1024x1xf32>
    %max3A = arith.constant 9.99999996E-13 : f32
    %max3A_3 = vector.broadcast %max3A : f32 to vector<1024x1xf32>
    %max3A_4 = arith.maximumf %sqrt3A, %max3A_3 : vector<1024x1xf32>
    %div3A = vector.broadcast %max3A_4 : vector<1024x1xf32> to vector<1024x16xf32>
    %div3A_5 = arith.divf %get3A_1, %div3A : vector<1024x16xf32>
    %get3A_6 = arith.constant 0 : index
    %get3A_7 = arith.constant 0 : index
    %get3A_8 = vector.load %arg2[%get3A_6, %get3A_7] : memref<2048x16xf32, #tpu.memory_space<vmem>>, vector<2048x16xf32>
    %dot_general3A = arith.constant dense<0.000000e+00> : vector<1024x2048xf32>
    %dot_general3A_9 = tpu.matmul %div3A_5, %get3A_8, %dot_general3A {dimension_numbers = #tpu.dot_dimension_numbers<[1], [1], [0], [0], [0, 0, 1, 0], [], []>, transpose_lhs_hint = false} : vector<1024x16xf32>, vector<2048x16xf32>, vector<1024x2048xf32> -> vector<1024x2048xf32>
    %mul3A_10 = arith.constant 2048 : i32
    %mul3A_11 = arith.muli %arg0, %mul3A_10 : i32
    %iota3A = tpu.iota {dimensions = array<i32: 1>} : vector<1024x2048xi32>
    %add3A = vector.broadcast %mul3A_11 : i32 to vector<1024x2048xi32>
    %add3A_12 = arith.addi %add3A, %iota3A : vector<1024x2048xi32>
    %lt3A = arith.constant 100000 : i32
    %lt3A_13 = vector.broadcast %lt3A : i32 to vector<1024x2048xi32>
    %lt3A_14 = arith.cmpi slt, %add3A_12, %lt3A_13 : vector<1024x2048xi32>
    %jit3A = arith.constant 0xFF800000 : f32
    %broadcast_in_dim3A_15 = vector.broadcast %jit3A : f32 to vector<1024x2048xf32>
    %select_n3A = arith.select %lt3A_14, %dot_general3A_9, %broadcast_in_dim3A_15 : vector<1024x2048xi1>, vector<1024x2048xf32>
    %swap3A = arith.constant 0 : index
    %swap3A_16 = arith.constant 0 : index
    %swap3A_17 = vector.load %arg3[%swap3A, %swap3A_16] : memref<1024x2048xf32, #tpu.memory_space<vmem>>, vector<1024x2048xf32>
    tpu.vector_store %arg3[%swap3A, %swap3A_16], %select_n3A {strides = array<i32>} : memref<1024x2048xf32, #tpu.memory_space<vmem>>, vector<1024x2048xf32>,
    %dot_general3A_18 = arith.constant dense<0.000000e+00> : vector<2048x1024xf32>
    %dot_general3A_19 = tpu.matmul %get3A_8, %div3A_5, %dot_general3A_18 {dimension_numbers = #tpu.dot_dimension_numbers<[1], [1], [0], [0], [0, 0, 1, 0], [], []>, transpose_lhs_hint = false} : vector<2048x16xf32>, vector<1024x16xf32>, vector<2048x1024xf32> -> vector<2048x1024xf32>
    %mul3A_20 = arith.constant 2048 : i32
    %mul3A_21 = arith.muli %arg0, %mul3A_20 : i32
    %iota3A_22 = tpu.iota {dimensions = array<i32: 0>} : vector<2048x1024xi32>
    %add3A_23 = vector.broadcast %mul3A_21 : i32 to vector<2048x1024xi32>
    %add3A_24 = arith.addi %add3A_23, %iota3A_22 : vector<2048x1024xi32>
    %lt3A_25 = arith.constant 100000 : i32
    %lt3A_26 = vector.broadcast %lt3A_25 : i32 to vector<2048x1024xi32>
    %lt3A_27 = arith.cmpi slt, %add3A_24, %lt3A_26 : vector<2048x1024xi32>
    %jit3A_28 = arith.constant 0xFF800000 : f32
    %broadcast_in_dim3A_29 = vector.broadcast %jit3A_28 : f32 to vector<2048x1024xf32>
    %select_n3A_30 = arith.select %lt3A_27, %dot_general3A_19, %broadcast_in_dim3A_29 : vector<2048x1024xi1>, vector<2048x1024xf32>
    %reshape3A = vector.shape_cast %select_n3A_30 : vector<2048x1024xf32> to vector<16x128x1024xf32>
    %reduce_max3A = arith.constant dense<0xFF800000> : vector<16x1024xf32>
    %reduce_max3A_31 = vector.multi_reduction <maximumf>, %reshape3A, %reduce_max3A [1] : vector<16x128x1024xf32> to vector<16x1024xf32>
    %swap3A_32 = arith.constant 0 : index
    %swap3A_33 = arith.constant 0 : index
    %swap3A_34 = vector.load %arg4[%swap3A_32, %swap3A_33] : memref<16x1024xf32, #tpu.memory_space<vmem>>, vector<16x1024xf32>
    tpu.vector_store %arg4[%swap3A_32, %swap3A_33], %reduce_max3A_31 {strides = array<i32>} : memref<16x1024xf32, #tpu.memory_space<vmem>>, vector<16x1024xf32>,
    return
  }
  func.func @transform_0(%arg0: i32) -> (i32, i32) {
    %c0_i32 = arith.constant 0 : i32
    %c0_i32_0 = arith.constant 0 : i32
    %c0_i32_1 = arith.constant 0 : i32
    return %c0_i32, %c0_i32_0 : i32, i32
  }
  func.func @transform_1(%arg0: i32) -> (i32, i32) {
    %c0_i32 = arith.constant 0 : i32
    %c0_i32_0 = arith.constant 0 : i32
    return %arg0, %c0_i32 : i32, i32
  }
  func.func @transform_2(%arg0: i32) -> (i32, i32) {
    %c0_i32 = arith.constant 0 : i32
    %c0_i32_0 = arith.constant 0 : i32
    return %c0_i32, %arg0 : i32, i32
  }
  func.func @transform_3(%arg0: i32) -> (i32, i32) {
    %c0_i32 = arith.constant 0 : i32
    %c0_i32_0 = arith.constant 0 : i32
    return %arg0, %c0_i32 : i32, i32
  }
}

module attributes {stable_mosaic.version = 14 : i64} {
  func.func @_thresh_body(%arg0: memref<784x1024xf32, #tpu.memory_space<vmem>>, %arg1: memref<1x1024xf32, #tpu.memory_space<vmem>>) attributes {dimension_semantics = [], scalar_prefetch = 0 : i64, scratch_operands = 0 : i64, tpu.core_type = #tpu.core_type<tc>} {
    %get3A = arith.constant 0 : index
    %get3A_0 = arith.constant 0 : index
    %get3A_1 = vector.load %arg0[%get3A, %get3A_0] : memref<784x1024xf32, #tpu.memory_space<vmem>>, vector<784x1024xf32>
    %broadcast_in_dim3A = arith.constant 0.000000e+00 : f32
    %broadcast_in_dim3A_2 = vector.broadcast %broadcast_in_dim3A : f32 to vector<1x1024xf32>
    %scan3A = arith.constant 0 : i32
    %scan3A_3 = arith.constant 20 : i32
    %scan3A_4 = arith.addi %scan3A, %scan3A_3 : i32
    %scan3A_5 = arith.constant 1 : i32
    %scan3A_6:2 = scf.for %scan3A_9 = %scan3A to %scan3A_4 step %scan3A_5 iter_args(%scan3A_10 = %get3A_1, %scan3A_11 = %broadcast_in_dim3A_2) -> (vector<784x1024xf32>, vector<1x1024xf32>)  : i32 {
      %reduce_max3A = arith.constant dense<0xFF800000> : vector<1024xf32>
      %reduce_max3A_12 = vector.multi_reduction <maximumf>, %scan3A_10, %reduce_max3A [0] : vector<784x1024xf32> to vector<1024xf32>
      %broadcast_in_dim3A_13 = vector.shape_cast %reduce_max3A_12 : vector<1024xf32> to vector<1x1024xf32>
      %eq3A = vector.broadcast %broadcast_in_dim3A_13 : vector<1x1024xf32> to vector<784x1024xf32>
      %eq3A_14 = arith.cmpf oeq, %scan3A_10, %eq3A : vector<784x1024xf32>
      %jit3A = arith.constant 0xFF800000 : f32
      %broadcast_in_dim3A_15 = vector.broadcast %jit3A : f32 to vector<784x1024xf32>
      %select_n3A = arith.select %eq3A_14, %broadcast_in_dim3A_15, %scan3A_10 : vector<784x1024xi1>, vector<784x1024xf32>
      scf.yield %select_n3A, %broadcast_in_dim3A_13 : vector<784x1024xf32>, vector<1x1024xf32>
    }
    %swap3A = arith.constant 0 : index
    %swap3A_7 = arith.constant 0 : index
    %swap3A_8 = vector.load %arg1[%swap3A, %swap3A_7] : memref<1x1024xf32, #tpu.memory_space<vmem>>, vector<1x1024xf32>
    tpu.vector_store %arg1[%swap3A, %swap3A_7], %scan3A_6#1 {strides = array<i32>} : memref<1x1024xf32, #tpu.memory_space<vmem>>, vector<1x1024xf32>,
    return
  }
}

</mosaic_0001>

<sc_bundles>
// kernel: kernel.5.cloned.1.call-start
scs
__scs_entry_jumppad:
0x0: {  	(pc) =	sbr.rel $0x88, $3  }
0x1: {  	(tag) =	ssettag $0x0;
	lr =	simm.s32 $0x1  }
0x2: {  	[smem:$0x3F9E] =	sst lr;
	_ =	strace $0xD0000000  }
0x3: {  	_ = 	snop  }
0x4: {  	_ = 	snop  }
0x5: {  	_ = 	snop  }
0x6: {  	_ = 	snop  }
0x7: {  	_ = 	snop  }
__scs_overlays_trampoline_lowered:
0x8: {  	[smem:$0x3FAD] =	sst s0  }
0x9: {  	[smem:$0x3FAE] =	sst s1  }
0xa: {  	[smem:$0x3FAF] =	sst s2  }
0xb: {  	[smem:$0x3FB0] =	sst s3  }
0xc: {  	[smem:$0x3FB1] =	sst s4  }
0xd: {  	[smem:$0x3FB2] =	sst s5  }
0xe: {  	[smem:$0x3FB3] =	sst s6  }
0xf: {  	[smem:$0x3FB4] =	sst s7  }
0x10: {  	[smem:$0x3FB5] =	sst s8  }
0x11: {  	[smem:$0x3FB6] =	sst s9;
	s0 =	simm.s32 @!p0 $0x0  }
0x12: {  	s1 =	sld [smem:$0x3F9C];
	s0 =	simm.s32 @p0 $0x1  }
0x13: {  	[smem:$0x3FB7] =	sst s0;
	s0 =	simm.s32 @!p1 $0x0  }
0x14: {  	s2 =	sld [smem:$0x3F9B];
	s0 =	simm.s32 @p1 $0x1  }
0x15: {  	[smem:$0x3FB8] =	sst s0;
	s0 =	simm.s32 @!p2 $0x0  }
0x16: {  	s3 =	sld [smem:$0x3FDB];
	s0 =	simm.s32 @p2 $0x1  }
0x17: {  	s4 =	simm.s32 $0x1BF5;
	[smem:$0x3FBA] =	sst s0  }
0x18: {  	s0 =	sld [smem:$0x3F9D];
	_ =	swait.ge [sflag:s4], $0x0  }
0x19: {  	s7 =	sld [smem:$0x3F9E]  }
0x1a: {  	s8 =	sadd.s32 $0xFFFFE003, lr  }
0x1b: {  	s9 =	sadd.s32 $0xFFFFFEF7, lr;
	s5 =	simm.s32 $0xFFFFFFFF;
	p2 =	slt.u32 s8, $0xFFFFF086  }
0x1c: {  	p1 =	slt.u32 s9, $0xF7A;
	s5 =	simm.s32 @!p2 $0x0  }
0x1d: {  	s5 =	simm.s32 @p1 $0x1;
	p0 =	seq.s32 s7, s2  }
0x1e: {  	s7 =	smul.u32 @!p0 $0xF7A, s2;
	p2 =	seq.s32 @!p0 s5, $0x0  }
0x1f: {  	s9 =	smul.u32 $0xF7A, s1;
	s8 =	simm.s32 @!p0 $0x1BF5;
	p2 =	por !p2, p0  }
0x20: {  	[sflag:s8] =	ssyncset.s32 @!p0 $0xFFFFF086;
	s6 =	sadd.s32 @!p0 s3, s7;
	s7 =	simm.s32 @!p0 $0x108  }
0x21: {  	s3 =	sadd.s32 s3, s9;
	s6 =	sadd.s32 @!p0 $0x88, s6;
	s7 =	simm.s32 @p2 $0x1082  }
0x22: {  	[simem:s7], [sflag:s8] =	dma.local @!p0 [hbm:s6], $0xF7A  }
0x23: {  	s9 =	sor.u32 $0xD0000000, s2;
	s6 =	simm.s32 $0x108;
	_ =	swait.ge @!p0 [sflag:s8], $0x0  }
0x24: {  	s3 =	sadd.s32 $0x88, s3;
	s6 =	simm.s32 @!p1 $0x1082;
	[sflag:s4] =	ssyncset.s32 $0xFFFFF086  }
0x25: {  	[simem:s6], [sflag:s4] =	dma.local [hbm:s3], $0xF7A  }
0x26: {  	[smem:$0x3F9E] =	sst s1;
	(tag) =	ssettag s2;
	_ =	strace s9  }
0x27: {  	s1 =	sld [smem:$0x3FAE]  }
0x28: {  	s2 =	sld [smem:$0x3FAF]  }
0x29: {  	s4 =	sld [smem:$0x3FB1]  }
0x2a: {  	p0 =	seq.s32 s5, $0x0;
	s5 =	sld [smem:$0x3FB2]  }
0x2b: {  	s6 =	sld [smem:$0x3FB3]  }
0x2c: {  	s7 =	sld [smem:$0x3FB4]  }
0x2d: {  	s3 =	simm.s32 $0x108;
	s8 =	sld [smem:$0x3FB5]  }
0x2e: {  	s3 =	simm.s32 @!p0 $0x1082;
	s9 =	sld [smem:$0x3FB6]  }
0x2f: {  	lr =	sadd.s32 s0, s3;
	s0 =	sld [smem:$0x3FAD]  }
0x30: {  	s3 =	sld [smem:$0x3FB0]  }
0x31: {  	[smem:$0x3FB9] =	sst s10  }
0x32: {  	s10 =	sld [smem:$0x3FB7];
	_ =	sdelay $0x3  }
0x33: {  	p0 =	seq.s32 s10, $0x1;
	s10 =	sld [smem:$0x3FB9];
	_ =	sdelay $0x3  }
0x34: {  	[smem:$0x3FB9] =	sst s10  }
0x35: {  	s10 =	sld [smem:$0x3FB8];
	_ =	sdelay $0x3  }
0x36: {  	p1 =	seq.s32 s10, $0x1;
	s10 =	sld [smem:$0x3FB9];
	_ =	sdelay $0x3  }
0x37: {  	[smem:$0x3FB9] =	sst s10  }
0x38: {  	s10 =	sld [smem:$0x3FBA]  }
0x39: {  	_ = 	snop;
	(pc) =	sbr.ind lr, $3  }
0x3a: {  	_ = 	snop  }
0x3b: {  	_ = 	snop  }
0x3c: {  	p2 =	seq.s32 s10, $0x1;
	s10 =	sld [smem:$0x3FB9]  }
0x3d: {  	_ =	shalt  }
0x3e: {  	_ =	shalt  }
0x3f: {  	_ =	shalt  }
0x40: {  	_ =	shalt  }
0x41: {  	_ =	shalt  }
0x42: {  	_ =	shalt  }
0x43: {  	_ =	shalt  }
0x44: {  	_ =	shalt  }
0x45: {  	_ =	shalt  }
0x46: {  	_ =	shalt  }
0x47: {  	_ =	shalt  }
0x48: {  	_ =	shalt  }
0x49: {  	_ =	shalt  }
0x4a: {  	_ =	shalt  }
0x4b: {  	_ =	shalt  }
0x4c: {  	_ =	shalt  }
0x4d: {  	_ =	shalt  }
0x4e: {  	_ =	shalt  }
0x4f: {  	_ =	shalt  }
0x50: {  	_ =	shalt  }
0x51: {  	_ =	shalt  }
0x52: {  	_ =	shalt  }
0x53: {  	_ =	shalt  }
0x54: {  	_ =	shalt  }
0x55: {  	_ =	shalt  }
0x56: {  	_ =	shalt  }
0x57: {  	_ =	shalt  }
0x58: {  	_ =	shalt  }
0x59: {  	_ =	shalt  }
0x5a: {  	_ =	shalt  }
0x5b: {  	_ =	shalt  }
0x5c: {  	_ =	shalt  }
0x5d: {  	_ =	shalt  }
0x5e: {  	_ =	shalt  }
0x5f: {  	_ =	shalt  }
0x60: {  	_ =	shalt  }
0x61: {  	_ =	shalt  }
0x62: {  	_ =	shalt  }
0x63: {  	_ =	shalt  }
0x64: {  	_ =	shalt  }
0x65: {  	_ =	shalt  }
0x66: {  	_ =	shalt  }
0x67: {  	_ =	shalt  }
0x68: {  	_ =	shalt  }
0x69: {  	_ =	shalt  }
0x6a: {  	_ =	shalt  }
0x6b: {  	_ =	shalt  }
0x6c: {  	_ =	shalt  }
0x6d: {  	_ =	shalt  }
0x6e: {  	_ =	shalt  }
0x6f: {  	_ =	shalt  }
0x70: {  	_ =	shalt  }
0x71: {  	_ =	shalt  }
0x72: {  	_ =	shalt  }
0x73: {  	_ =	shalt  }
0x74: {  	_ =	shalt  }
0x75: {  	_ =	shalt  }
0x76: {  	_ =	shalt  }
0x77: {  	_ =	shalt  }
0x78: {  	_ =	shalt  }
0x79: {  	_ =	shalt  }
0x7a: {  	_ =	shalt  }
0x7b: {  	_ =	shalt  }
0x7c: {  	_ =	shalt  }
0x7d: {  	_ =	shalt  }
0x7e: {  	_ =	shalt  }
0x7f: {  	_ =	shalt  }
0x80: {  	_ =	shalt  }
0x81: {  	_ =	shalt  }
0x82: {  	_ =	shalt  }
0x83: {  	_ =	shalt  }
0x84: {  	_ =	shalt  }
0x85: {  	_ =	shalt  }
0x86: {  	_ =	shalt  }
0x87: {  	_ =	shalt  }
.Lfunc_end0:
.L_simem_size_0:
called_computation_lowered:
.L_overlay_start_0:
0x88: {  	s2 =	sld [smem:$0x3FD9]  }
0x89: {  	s3 =	sld [smem:$0x3FFE];
	_ =	sdelay $0x1  }
0x8a: {  	s1 =	srdreg.scid  }
0x8b: {  	s0 =	sand.u32 $0x1, s1  }
0x8c: {  	s17 =	sshll.u32 s0, $0xA;
	s2 =	sadd.s32 s3, s2  }
0x8d: {  	s2 =	sadd.s32 s2, s17  }
0x8e: {  	[smem:$0x3FC5] =	sst s2  }
0x8f: {  	_ = 	snop  }
0x90: {  	s2 =	sld [smem:$0x3FC7]  }
0x91: {  	s18 =	sld [smem:$0x3FD0];
	(tm) =	ssettm $0x1  }
0x92: {  	s4 =	sld [smem:$0x3FFB];
	_ =	sdelay $0x3  }
0x93: {  	_ =	strace s4  }
0x94: {  	s4 =	sld [smem:$0x3FFC];
	_ =	sdelay $0x3  }
0x95: {  	_ =	strace s4  }
0x96: {  	s4 =	sld [smem:$0x3FFD];
	_ =	sdelay $0x3  }
0x97: {  	_ =	strace s4  }
0x98: {  	_ =	strace $0x8FFFFFFF  }
0x99: {  	s19 =	sld [smem:$0x3FDB];
	_ =	sdelay $0x1  }
0x9a: {  	s5 =	simm.s32 $_scs_section_size  }
0x9b: {  	s6 =	simm.s32 $_size__tile_overlayer_lowered;
	s7 =	simm.s32 $_tile_overlayer_lowered  }
0x9c: {  	s22 =	simm.s32 $0x1BFF;
	s21 =	sshll.u32 s7, $0x1;
	s4 =	sadd.s32 s5, s19  }
0x9d: {  	s8 =	simm.s32 $0x0;
	s20 =	sshll.u32 s6, $0x1;
	s6 =	sadd.s32 s21, s4  }
0x9e: {  	[timem:s8], [sflag:s22] =	dma.local [hbm:s6], s20  }
0x9f: {  	_ =	swait.ge [sflag:s22], s20  }
0xa0: {  	s5 =	ssub.s32 $0x0, s20;
	[sflag:s22] =	ssyncset.done $0x0  }
0xa1: {  	[sflag:s22] =	ssyncadd.s32 s5;
	_ =	sdelay $0x1  }
0xa2: {  	s23 =	simm.s32 $0x1B8B  }
0xa3: {  	_ =	swait.ge [sflag:s23], $0x1  }
0xa4: {  	[sflag:s23] =	ssyncset.done $0x0  }
0xa5: {  	s25 =	simm.s32 $0x1B8E;
	s24 =	sld [smem:$0x3FFE];
	[sflag:s23] =	ssyncadd.s32 $0xFFFFFFFF  }
0xa6: {  	s26 =	simm.s32 $execute0_lowered;
	[smem:$0x3FD2] =	sst s25  }
0xa7: {  	s6 =	sshll.u32 s26, $0x1;
	_ =	strace $0x80000046;
	[dreg:$0x1] =	wrdreg $0xFFFFFFFF  }
0xa8: {  	s28 =	simm.s32 $_size_execute0_lowered;
	s4 =	sadd.s32 s4, s6;
	[dreg:$0x0] =	wrdreg $0x0  }
0xa9: {  	s6 =	sshll.u32 s28, $0x1;
	[dreg:$0x2] =	wrdreg s4  }
0xaa: {  	[dreg:$0x3] =	wrdreg s6  }
0xab: {  	[dreg:$0x4] =	wrdreg $0xC0  }
0xac: {  	_ =	task [dreg:s8], $0x5FFFF  }
0xad: {  	[dreg:$0x1] =	wrdreg $0xFFFFFFFF  }
0xae: {  	[dreg:$0x0] =	wrdreg $0x60  }
0xaf: {  	[dreg:$0x2] =	wrdreg s24  }
0xb0: {  	[dreg:$0x3] =	wrdreg s18  }
0xb1: {  	[dreg:$0x4] =	wrdreg s2  }
0xb2: {  	[dreg:$0x5] =	wrdreg $0x9  }
0xb3: {  	_ =	task.clear_ibuf [dreg:s8], $0x6FFFF;
	_ =	strace $0x90000046  }
0xb4: {  	s29 =	simm.s32 $0x9;
	_ =	strace $0x80000048  }
0xb5: {  	_ =	swait.ge [sflag:s29], $0x1  }
0xb6: {  	[sflag:s29] =	ssyncadd.s32 $0xFFFFFFFF  }
0xb7: {  	_ =	strace $0x90000048  }
0xb8: {  	_ =	sfence  }
0xb9: {  	s30 =	sld [smem:$0x0];
	_ =	sdelay $0x2  }
0xba: {  	s31 =	sshll.u32 s1, $0xD;
	s1 =	sshrl.u32 s1, $0x2  }
0xbb: {  	s3 =	sand.u32 $0x4000, s31;
	s1 =	sadd.s32 s1, s30  }
0xbc: {  	s0 =	sor.u32 s3, s0;
	s1 =	sshll.u32 s1, $0x11  }
0xbd: {  	s0 =	sor.u32 s1, s0  }
0xbe: {  	s0 =	sadd.s32 $0x8F2B, s0  }
0xbf: {  	[sflag:s0] =	ssyncadd.remote.s32 $0x1  }
0xc0: {  	_ =	sfence.sel $0xFFFF  }
0xc1: {  	[dreg:$0x0] =	wrdreg $0xFFFFFFFF;
	(pc) =	sbr.abs _section_cstart, $3  }
0xc2: {  	[dreg:$0x1] =	wrdreg $0xFFFFFFFF  }
0xc3: {  	_ =	task.clear_ibuf [dreg:s8], $0x2FFFF;
	_ =	strace $0x9FFFFFFF  }
0xc4: {  	(tm) =	ssettm $0x7FFFFFFF  }
0xc5: {  	_ =	shalt  }
tec
execute0_lowered:
.L_overlay_start_1:
0x0: {  	(tag) =	ssettag $0x1  }
0x1: {  	s0 =	rddreg [dreg:$0x0]  }
0x2: {  	s1 =	rddreg [dreg:$0x1];
	s4 =	simm.s32 $0x0;
	s2 =	srdreg.scid  }
0x3: {  	s3 =	stileid.u32;
	s10 =	simm.s32 $0x1;
	[smem:$0x7FF] =	sst s4  }
0x4: {  	v0 =	vimm.f32 $-Inf;
	s12 =	simm.s32 $0x80;
	s13 =	simm.s32 $0x400;
	_ =	strace $0x80000047  }
0x5: {  	s14 =	simm.s32 $0x18A80;
	s15 =	simm.s32 $0x19E00;
	s2 =	sand.u32 $0x1, s2;
	(xrf0) =	vmax.scan.msk.f32 $0xffff, v0  }
0x6: {  	s3 =	sshll.u32 s3, $0x6;
	s5 =	sshll.u32 s2, $0x5;
	s2 =	ssub.s32 $0x2, s2  }
0x7: {  	s16 =	simm.s32 $0x1A680;
	s5 =	sor.u32 s5, s3;
	s8 =	sshrl.u32 s2, $0x1  }
0x8: {  	s6 =	sadd.s32 $0x187200, s0;
	s3 =	sshrl.u32 s5, $0x3;
	s30 =	ssub.s32 s2, s8  }
0x9: {  	s7 =	sadd.s32 $0xA00, s0;
	s3 =	sadd.s32 s3, s0;
	s0 =	smax.u32 s30, $0x1  }
0xa: {  	v1 =	vimm.s32 $0x0;
	v2 =	vlaneseq.u32;
	s17 =	simm.s32 $0x1B100;
	s31 =	sadd.s32 $0x800, s3;
	[dreg:$0x5] =	wrdreg s0  }
0xb: {  	vm0 =	vmmov $0x1;
	v5 =	vimm.f32 $0.0e+00;
	s18 =	simm.s32 $0x2;
	v4 =	vor.u32 $0x80000000, v2;
	s2 =	simm.s32 $0x0;
	[dreg:$0x4] =	wrdreg s31;
	v3, _, _ =	vpop (xrf0)  }
.LBB2_1:
0xc: {  	[dreg:$0x6] =	wrdreg s2  }
0xd: {  	s0 =	rddreg [dreg:$0x2]  }
0xe: {  	[tilespmem:s4], [sflag:$0x1] =	stream.linear.gather [hbm4b:s0+s4], $0x18700, $0x38;
	[tilespmem:$0x1B580] =	vst v63  }
0xf: {  	_ =	swait.ge [sflag:s10], $0x18700  }
0x10: {  	[sflag:s10] =	ssyncset.done $0x0  }
0x11: {  	s31 =	simm.s32 $0x1B500;
	s30 =	rddreg [dreg:$0x4];
	[sflag:s10] =	ssyncadd.s32 $0xFFFE7900  }
0x12: {  	[tilespmem:s31], [sflag:$0x1] =	stream.linear.gather [hbm4b:s30+s4], $0x20, $0x38;
	[tilespmem:$0x1B580] =	vst v63  }
0x13: {  	_ =	swait.ge [sflag:s10], $0x20  }
0x14: {  	[sflag:s10] =	ssyncset.done $0x0  }
0x15: {  	s20 =	simm.s32 $0x0;
	[sflag:s10] =	ssyncadd.s32 $0xFFFFFFE0  }
.LBB2_2:
0x16: {  	s0 =	sor.u32 s5, s20  }
0x17: {  	s21 =	sshrl.u32 s0, $0x3  }
0x18: {  	s29 =	sshll.u32 s20, $0x7;
	s2 =	smul.u32 $0x1C00, s21  }
0x19: {  	s22 =	sand.u32 $0x380, s29  }
0x1a: {  	s0 =	sor.u32 s22, s2  }
0x1b: {  	s0 =	sshrl.u32 s0, $0x3  }
0x1c: {  	s30 =	simm.s32 $0x18700;
	s0 =	sadd.s32 s1, s0  }
0x1d: {  	[tilespmem:s30], [sflag:$0x1] =	stream.strided.gather [hbm4b:s0+s12], $0x380, s13, s12, $0x38;
	[tilespmem:$0x1B580] =	vst v63  }
0x1e: {  	_ =	swait.ge [sflag:s10], $0x380  }
0x1f: {  	[sflag:s10] =	ssyncset.done $0x0  }
0x20: {  	[sflag:s10] =	ssyncadd.s32 $0xFFFFFC80  }
0x21: {  	v6 =	vld [tilespmem:s20+$0x1B500];
	_ =	sdelay $0x4  }
0x22: {  	(v2sf) =	vpush v6, $0x0;
	_ =	sdelay $0xd  }
0x23: {  	v7 =	vld [tilespmem:s30+$0x0]  }
0x24: {  	s31 =	spop (v2sf)  }
0x25: {  	s0 =	sadd.f32 $-1.000000050e-03, s31;
	_ =	sdelay $0x1  }
0x26: {  	v6 =	vmov s0  }
0x27: {  	vm1 =	vge.f32 v7, v6  }
0x28: {  	v7 =	vsel vm1, $0x1, v1  }
0x29: {  	(xrf0) =	vadd.scan.msk.s32 $0xffff, v7;
	_ =	sdelay $0x2  }
0x2a: {  	s2 =	simm.s32 $0x0  }
0x2b: {  	v7 =	vmov s2  }
0x2c: {  	v7 =	vadd.s32 $0xFFFFFFFF, v7  }
0x2d: {  	v7 =	vbroadcast v7, $0x0;
	v8, _, _ =	vpop (xrf0)  }
0x2e: {  	(v2sf) =	vpush v8, $0xF  }
0x2f: {  	v7 =	vadd.s32 v8, v7;
	_ =	sdelay $0x3  }
0x30: {  	v9 =	vor.u32 s2, v2  }
0x31: {  	s3 =	simm.s32 $0x18710;
	[tilespmem:v7+s14+$0x0] =	vst.idx.msk vm1, v9  }
0x32: {  	s8 =	simm.s32 $0x20;
	s0 =	simm.s32 $0x10;
	v7 =	vld [tilespmem:s3+$0x0]  }
.LBB2_3:
0x33: {  	p0 =	sne.s32 s8, $0x300;
	_ =	sdelay $0x3  }
0x34: {  	vm1 =	vge.f32 v7, v6  }
0x35: {  	v7 =	vsel vm1, $0x1, v1  }
0x36: {  	(xrf0) =	vadd.scan.msk.s32 $0xffff, v7  }
0x37: {  	s9 =	spop (v2sf)  }
0x38: {  	s2 =	sadd.s32 s2, s9  }
0x39: {  	v7 =	vmov s2  }
0x3a: {  	v7 =	vadd.s32 $0xFFFFFFFF, v7  }
0x3b: {  	v7 =	vbroadcast v7, $0x0  }
0x3c: {  	v8, _, _ =	vpop (xrf0)  }
0x3d: {  	v7 =	vadd.s32 v8, v7;
	(v2sf) =	vpush v8, $0xF;
	_ =	sdelay $0x2  }
.Ltmp0:
0x3e: {  	(pc) =	sbr.rel @p0 .LBB2_3-.Ltmp0, $4  }
0x3f: {  	v8 =	vor.u32 s0, v2;
	s0 =	smov.u32 s8  }
0x40: {  	[tilespmem:v7+s14+$0x0] =	vst.idx.msk vm1, v8  }
0x41: {  	s3 =	sadd.s32 $0x10, s3  }
0x42: {  	s8 =	sadd.s32 $0x10, s8;
	v7 =	vld [tilespmem:s3+$0x0]  }
0x43: {  	_ =	sdelay $0x3  }
0x44: {  	vm1 =	vge.f32 v7, v6  }
0x45: {  	v7 =	vsel vm1, $0x1, v1  }
0x46: {  	(xrf0) =	vadd.scan.msk.s32 $0xffff, v7;
	_ =	sdelay $0x5  }
0x47: {  	v7, _, _ =	vpop (xrf0)  }
0x48: {  	(v2sf) =	vpush v7, $0xF;
	_ =	sdelay $0xd  }
0x49: {  	s3 =	spop (v2sf)  }
0x4a: {  	s2 =	sadd.s32 s2, s3;
	s28 =	spop (v2sf)  }
0x4b: {  	s24 =	sadd.s32 s2, s28  }
0x4c: {  	v8 =	vmov s2;
	s2 =	sadd.s32 $0x1F, s24  }
0x4d: {  	s29 =	sand.u32 $0x1F, s2  }
0x4e: {  	s30 =	sshra.s32 s2, $0x1F;
	p1 =	slt.s32 s2, $0x1;
	p0 =	sne.s32 s29, $0x0  }
0x4f: {  	s3 =	sshrl.u32 s30, $0x1B;
	p0 =	por !p1, !p0  }
0x50: {  	v8 =	vadd.s32 $0xFFFFFFFF, v8;
	s2 =	sadd.s32 s3, s2;
	s3 =	simm.s32 $0x1;
	p0 =	por !p0, !p0  }
0x51: {  	v8 =	vbroadcast v8, $0x0;
	s2 =	sshra.s32 s2, $0x5;
	s3 =	simm.s32 @!p0 $0x0  }
0x52: {  	s25 =	ssub.s32 s2, s3  }
0x53: {  	v7 =	vadd.s32 v7, v8;
	p0 =	slt.s32 s25, $0x1  }
.Ltmp1:
0x54: {  	_ = 	snop;
	(pc) =	sbr.rel @p0 .LBB2_19-.Ltmp1, $3  }
0x55: {  	_ =	sdelay $0x1  }
0x56: {  	v8 =	vor.u32 s0, v2  }
0x57: {  	s23 =	simm.s32 $0x0;
	s31 =	simm.s32 $0x0;
	[tilespmem:v7+s14+$0x0] =	vst.idx.msk vm1, v8  }
.Ltmp2:
0x58: {  	(pc) =	sbr.rel .LBB2_6-.Ltmp2, $4  }
0x59: {  	_ = 	snop  }
0x5a: {  	s0 =	smul.u32 $0xC4000, s21  }
0x5b: {  	s31 =	simm.s32 $0x0;
	s28 =	simm.s32 $0x18A80  }
0x5c: {  	s29 =	smov.u32 s24;
	s30 =	simm.s32 $0x0;
	s26 =	sor.u32 s22, s0  }
.LBB2_18:
0x5d: {  	s30 =	sadd.s32 $0x1, s30  }
0x5e: {  	p0 =	sne.s32 s30, s25  }
.Ltmp3:
0x5f: {  	_ = 	snop;
	(pc) =	sbr.rel @!p0 .LBB2_19-.Ltmp3, $2  }
0x60: {  	_ =	sdelay $0x2  }
0x61: {  	s29 =	sadd.s32 $0xFFFFFFE0, s29;
	s28 =	sadd.s32 $0x20, s28  }
.LBB2_6:
0x62: {  	s2 =	sshll.u32 s30, $0x5  }
0x63: {  	s0 =	ssub.s32 s24, s2  }
0x64: {  	p0 =	slt.s32 s0, $0x1  }
.Ltmp4:
0x65: {  	_ = 	snop;
	(pc) =	sbr.rel @p0 .LBB2_18-.Ltmp4, $1  }
0x66: {  	_ =	sdelay $0x3  }
0x67: {  	p0 =	sgt.s32 s29, $0x1;
	s0 =	smov.u32 s29  }
0x68: {  	s0 =	simm.s32 @!p0 $0x1  }
0x69: {  	s0 =	smin.u32 s0, $0x20  }
0x6a: {  	p1 =	sne.s32 s0, $0x1  }
.Ltmp5:
0x6b: {  	_ = 	snop;
	(pc) =	sbr.rel @!p1 .LBB2_8-.Ltmp5, $3  }
0x6c: {  	_ =	sdelay $0x1  }
0x6d: {  	s11 =	sadd.s32 $0x18A80, s2  }
0x6e: {  	s2 =	simm.s32 $0x18E00;
	v7 =	vld [tilespmem:s28+$0x0];
	p0 =	por $0x0, $0x0;
	s3 =	sadd.s32 $0xFFFFFFFF, s0  }
0x6f: {  	_ =	sdelay $0x3  }
0x70: {  	(v2sf) =	vpush v7, $0x0;
	_ =	sdelay $0xe  }
0x71: {  	s8 =	spop (v2sf)  }
0x72: {  	s8 =	sshll.u32 s8, $0xA  }
0x73: {  	p1 =	sne.s32 s3, $0x1;
	s8 =	sadd.s32 s26, s8  }
.Ltmp6:
0x74: {  	s8 =	sshrl.u32 s8, $0x3;
	(pc) =	sbr.rel @!p1 .LBB2_10-.Ltmp6, $4  }
0x75: {  	s8 =	sadd.s32 s6, s8  }
0x76: {  	[tilespmem:s2], [sflag:$0x1] =	stream.linear.gather [hbm4b:s8+s4], $0x80, $0x38;
	[tilespmem:$0x1B580] =	vst v63  }
0x77: {  	s8 =	sadd.s32 $0x1, s28  }
0x78: {  	s9 =	sadd.s32 $0xFFFFFFFF, s3;
	p0 =	por $0x1, $0x1;
	s3 =	simm.s32 $0x18E00;
	v7 =	vld [tilespmem:s8+$0x0]  }
.LBB2_11:
0x79: {  	p1 =	sne.s32 s9, $0x1;
	_ =	sdelay $0x3  }
0x7a: {  	(v2sf) =	vpush v7, $0x0;
	_ =	sdelay $0xe  }
0x7b: {  	s19 =	spop (v2sf)  }
0x7c: {  	s19 =	sshll.u32 s19, $0xA  }
.Ltmp7:
0x7d: {  	s19 =	sadd.s32 s26, s19;
	(pc) =	sbr.rel @p1 .LBB2_11-.Ltmp7, $4  }
0x7e: {  	s19 =	sshrl.u32 s19, $0x3  }
0x7f: {  	s8 =	sadd.s32 $0x1, s8;
	s3 =	sadd.s32 $0x80, s3;
	s19 =	sadd.s32 s6, s19  }
0x80: {  	[tilespmem:s3], [sflag:$0x1] =	stream.linear.gather [hbm4b:s19+s4], $0x80, $0x38;
	[tilespmem:$0x1B580] =	vst v63  }
0x81: {  	s9 =	sadd.s32 $0xFFFFFFFF, s9;
	v7 =	vld [tilespmem:s8+$0x0]  }
.LBB2_12:
0x82: {  	_ =	sdelay $0x3  }
0x83: {  	(v2sf) =	vpush v7, $0x0;
	_ =	sdelay $0xe  }
0x84: {  	s8 =	spop (v2sf)  }
0x85: {  	s8 =	sshll.u32 s8, $0xA  }
0x86: {  	s8 =	sadd.s32 s26, s8  }
0x87: {  	s3 =	sadd.s32 @p0 $0x80, s3;
	s8 =	sshrl.u32 s8, $0x3  }
0x88: {  	s2 =	smov.u32 @p0 s3;
	s8 =	sadd.s32 s6, s8  }
0x89: {  	[tilespmem:s2], [sflag:$0x1] =	stream.linear.gather [hbm4b:s8+s4], $0x80, $0x38;
	[tilespmem:$0x1B580] =	vst v63  }
0x8a: {  	s2 =	smov.u32 s0  }
.LBB2_13:
0x8b: {  	p0 =	sne.s32 s2, $0x1  }
.Ltmp8:
0x8c: {  	_ = 	snop;
	(pc) =	sbr.rel @p0 .LBB2_13-.Ltmp8, $4  }
0x8d: {  	_ = 	snop  }
0x8e: {  	_ =	swait.ge [sflag:s10], $0x80  }
0x8f: {  	[sflag:s10] =	ssyncset.done $0x0  }
0x90: {  	s2 =	sadd.s32 $0xFFFFFFFF, s2;
	[sflag:s10] =	ssyncadd.s32 $0xFFFFFF80  }
0x91: {  	s3 =	simm.s32 $0x0;
	s2 =	simm.s32 $0x18E00;
	v7 =	vmov s11  }
.LBB2_15:
0x92: {  	_ =	sdelay $0x3  }
0x93: {  	v9 =	vld.idx.msk [tilespmem:v7+s3+$0x0 ss:$0x1], $0xffff  }
0x94: {  	v8 =	vmov s2;
	_ =	sdelay $0x3  }
0x95: {  	s8 =	simm.s32 $0x0;
	(v2sf) =	vpush v9, $0x0  }
0x96: {  	v10 =	vld.idx.msk [tilespmem:v8+s8+$0x0 ss:$0x1], $0xffff;
	_ =	sdelay $0x4  }
0x97: {  	vm1 =	vge.f32 v10, v6  }
0x98: {  	v9 =	vsel vm1, $0x1, v1  }
0x99: {  	(xrf0) =	vadd.scan.msk.s32 $0xffff, v9;
	_ =	sdelay $0x2  }
0x9a: {  	v9 =	vmov s31  }
0x9b: {  	v9 =	vadd.s32 $0xFFFFFFFF, v9  }
0x9c: {  	v9 =	vbroadcast v9, $0x0  }
0x9d: {  	v11, _, _ =	vpop (xrf0)  }
0x9e: {  	v9 =	vadd.s32 v11, v9;
	s19 =	spop (v2sf);
	(v2sf) =	vpush v11, $0xF  }
0x9f: {  	vm2 =	vlt.s32 v9, $0x7FF  }
0xa0: {  	v9 =	vnsel vm2, $0x7FF, v9;
	_ =	sdelay $0x3  }
0xa1: {  	s11 =	sshll.u32 s19, $0x7  }
0xa2: {  	[tilespmem:v9+s15+$0x0] =	vst.idx.msk vm1, v10;
	v10 =	vor.u32 s11, v2  }
0xa3: {  	s9 =	simm.s32 $0x10;
	s8 =	simm.s32 $0x80;
	[tilespmem:v9+s16+$0x0] =	vst.idx.msk vm1, v10  }
.LBB2_16:
0xa4: {  	p0 =	sne.s32 s8, $0x1C0;
	v9 =	vld.idx.msk [tilespmem:v8+s9+$0x0 ss:$0x1], $0xffff;
	_ =	sdelay $0x5  }
0xa5: {  	vm1 =	vge.f32 v9, v6;
	s9 =	spop (v2sf)  }
0xa6: {  	v10 =	vsel vm1, $0x1, v1;
	s31 =	sadd.s32 s31, s9  }
0xa7: {  	v11 =	vmov s31;
	(xrf0) =	vadd.scan.msk.s32 $0xffff, v10  }
0xa8: {  	v10 =	vadd.s32 $0xFFFFFFFF, v11  }
0xa9: {  	v10 =	vbroadcast v10, $0x0;
	_ =	sdelay $0x3  }
0xaa: {  	v11, _, _ =	vpop (xrf0)  }
0xab: {  	v10 =	vadd.s32 v11, v10;
	(v2sf) =	vpush v11, $0xF  }
0xac: {  	vm2 =	vlt.s32 v10, $0x7FF  }
0xad: {  	v10 =	vnsel vm2, $0x7FF, v10;
	_ =	sdelay $0x1  }
.Ltmp9:
0xae: {  	(pc) =	sbr.rel @p0 .LBB2_16-.Ltmp9, $4  }
0xaf: {  	_ = 	snop  }
0xb0: {  	s11 =	sadd.s32 $0x10, s11  }
0xb1: {  	v11 =	vor.u32 s11, v2;
	[tilespmem:v10+s15+$0x0] =	vst.idx.msk vm1, v9  }
0xb2: {  	s9 =	sshra.s32 s8, $0x2;
	s8 =	sadd.s32 $0x40, s8;
	[tilespmem:v10+s16+$0x0] =	vst.idx.msk vm1, v11  }
0xb3: {  	_ =	sdelay $0x3  }
0xb4: {  	v8 =	vld.idx.msk [tilespmem:v8+s9+$0x0 ss:$0x1], $0xffff;
	_ =	sdelay $0x4  }
0xb5: {  	vm1 =	vge.f32 v8, v6  }
0xb6: {  	v9 =	vsel vm1, $0x1, v1  }
0xb7: {  	(xrf0) =	vadd.scan.msk.s32 $0xffff, v9;
	_ =	sdelay $0x5  }
0xb8: {  	v9, _, _ =	vpop (xrf0)  }
0xb9: {  	(v2sf) =	vpush v9, $0xF;
	_ =	sdelay $0x1  }
0xba: {  	s8 =	spop (v2sf)  }
0xbb: {  	s8 =	sadd.s32 s31, s8  }
0xbc: {  	v10 =	vmov s8  }
0xbd: {  	v10 =	vadd.s32 $0xFFFFFFFF, v10  }
0xbe: {  	v10 =	vbroadcast v10, $0x0;
	_ =	sdelay $0x1  }
0xbf: {  	v9 =	vadd.s32 v9, v10  }
0xc0: {  	vm2 =	vlt.s32 v9, $0x7FF  }
0xc1: {  	s3 =	sadd.s32 $0x1, s3;
	v9 =	vnsel vm2, $0x7FF, v9  }
0xc2: {  	p0 =	sne.s32 s3, s0  }
.Ltmp10:
0xc3: {  	_ = 	snop;
	(pc) =	sbr.rel @p0 .LBB2_15-.Ltmp10, $4  }
.Ltmp11:
0xc4: {  	_ = 	snop;
	(pc) =	sbr.rel @!p0 .LBB2_18-.Ltmp11, $4  }
0xc5: {  	s11 =	sadd.s32 $0x10, s11  }
0xc6: {  	v63 =	vor.u32 s11, v2;
	[tilespmem:v9+s15+$0x0] =	vst.idx.msk vm1, v8;
	s19 =	spop (v2sf)  }
0xc7: {  	s2 =	sadd.s32 $0x80, s2;
	[tilespmem:v9+s16+$0x0] =	vst.idx.msk vm1, v63;
	s31 =	sadd.s32 s8, s19  }
0xc8: {  	_ = 	snop  }
.LBB2_8:
.Ltmp12:
0xc9: {  	(pc) =	sbr.rel .LBB2_12-.Ltmp12, $2  }
0xca: {  	_ =	sdelay $0x2  }
0xcb: {  	s3 =	simm.s32 $0x18E00  }
.LBB2_10:
.Ltmp13:
0xcc: {  	(pc) =	sbr.rel .LBB2_12-.Ltmp13, $2  }
0xcd: {  	_ =	sdelay $0x2  }
0xce: {  	s3 =	simm.s32 $0x18E00  }
.LBB2_19:
0xcf: {  	p0 =	slt.s32 s31, $0x800  }
0xd0: {  	p1 =	slt.s32 s31, $0xFFFFFFF2;
	s31 =	simm.s32 @!p0 $0x800  }
0xd1: {  	s0 =	sadd.s32 $0xF, s31  }
0xd2: {  	[tilespmem:s31+$0x19E00] =	vst v0;
	s2 =	sand.u32 $0xF, s0  }
0xd3: {  	s31 =	sshra.s32 s0, $0x1F;
	[tilespmem:$0x1AF00] =	vst v0;
	p6 =	sne.s32 s2, $0x0  }
.Ltmp14:
0xd4: {  	[tilespmem:$0x1AF80] =	vst v1;
	s2 =	sshrl.u32 s31, $0x1C;
	p0 =	por !p1, !p6;
	(pc) =	sbr.rel .LBB2_20-.Ltmp14, $4  }
0xd5: {  	[tilespmem:$0x1AF10] =	vst v0;
	s0 =	sadd.s32 s2, s0;
	s2 =	simm.s32 $0x1;
	p0 =	por !p0, !p0  }
0xd6: {  	[tilespmem:$0x1AF90] =	vst v1;
	s0 =	sshra.s32 s0, $0x4;
	s2 =	simm.s32 @!p0 $0x0  }
0xd7: {  	[tilespmem:$0x1AF20] =	vst v0;
	s24 =	ssub.s32 s0, s2  }
0xd8: {  	[tilespmem:$0x1AFA0] =	vst v1;
	p0 =	slt.s32 s24, $0x1  }
.LBB2_21:
0xd9: {  	s2 =	simm.s32 $0x40000000;
	v6 =	vmov v3  }
.LBB2_37:
0xda: {  	v7 =	vld [tilespmem:s23+$0x1AF00];
	_ =	sdelay $0x2  }
0xdb: {  	v6 =	vbroadcast v6, $0xF;
	_ =	sdelay $0x1  }
0xdc: {  	v6 =	vsel vm0, v6, v7  }
0xdd: {  	v7 =	vld [tilespmem:s23+$0x1AF80];
	[tilespmem:s23+$0x1AF00] =	vst v6  }
0xde: {  	v6 =	vld [tilespmem:s2+$0x1A680];
	_ =	sdelay $0x4  }
0xdf: {  	v6 =	vsel vm0, v6, v7  }
0xe0: {  	[tilespmem:s23+$0x1AF80] =	vst v6  }
0xe1: {  	s23 =	sadd.s32 $0x1, s23;
	v6 =	vld [tilespmem:s2+$0x19E00]  }
0xe2: {  	p1 =	sne.s32 s23, $0x14  }
.Ltmp15:
0xe3: {  	_ = 	snop;
	(pc) =	sbr.rel @!p1 .LBB2_38-.Ltmp15, $4  }
0xe4: {  	_ = 	snop  }
0xe5: {  	vm1 =	veq.s32 v2, $0x0  }
0xe6: {  	v6 =	vsel vm1, $0xFF800000, v6  }
0xe7: {  	[tilespmem:s2+$0x19E00] =	vst v6  }
.LBB2_20:
.Ltmp16:
0xe8: {  	(pc) =	sbr.rel @p0 .LBB2_21-.Ltmp16, $1  }
0xe9: {  	_ =	sdelay $0x3  }
0xea: {  	p5 =	sne.s32 s24, $0x1  }
.Ltmp17:
0xeb: {  	_ = 	snop;
	(pc) =	sbr.rel @!p5 .LBB2_24-.Ltmp17, $3  }
0xec: {  	_ =	sdelay $0x1  }
0xed: {  	s0 =	simm.s32 $0x19E00  }
0xee: {  	v6 =	vimm.f32 $-Inf;
	s2 =	sadd.s32 $0xFFFFFFFF, s24;
	s3 =	simm.s32 $0x19E00;
	v7 =	vld [tilespmem:s0+$0x0]  }
.LBB2_23:
0xef: {  	p1 =	sne.s32 s2, $0x1  }
.Ltmp18:
0xf0: {  	_ = 	snop;
	(pc) =	sbr.rel @p1 .LBB2_23-.Ltmp18, $3  }
0xf1: {  	_ =	sdelay $0x1  }
0xf2: {  	s2 =	sadd.s32 $0xFFFFFFFF, s2;
	s3 =	sadd.s32 $0x10, s3;
	v6 =	vmax.f32 v6, v7  }
0xf3: {  	v7 =	vld [tilespmem:s3+$0x0]  }
.LBB2_24:
0xf4: {  	_ =	sdelay $0x3  }
0xf5: {  	v6 =	vmax.f32 v6, v7  }
0xf6: {  	(xrf0) =	vmax.scan.msk.f32 $0xffff, v6;
	_ =	sdelay $0x3  }
0xf7: {  	v8 =	vld [tilespmem:s0+$0x0]  }
.Ltmp19:
0xf8: {  	_ = 	snop;
	(pc) =	sbr.rel @!p5 .LBB2_25-.Ltmp19, $4  }
0xf9: {  	v6, _, _ =	vpop (xrf0)  }
0xfa: {  	s0 =	simm.s32 $0x40000000;
	s8 =	simm.s32 $0x0;
	v7 =	vbroadcast v6, $0xF  }
0xfb: {  	s2 =	sadd.s32 $0xFFFFFFFF, s24;
	s3 =	simm.s32 $0x19E10;
	p1 =	por $0x0, $0x0  }
0xfc: {  	p2 =	por $0x0, $0x0;
	p3 =	por $0x0, $0x0;
	p4 =	por $0x0, $0x0;
	vm1 =	veq.f32 v8, v7;
	v8 =	vxor.u32 s8, v4  }
0xfd: {  	v9 =	vld [tilespmem:s3+$0x0];
	p5 =	sne.s32 s2, $0x1  }
.Ltmp20:
0xfe: {  	_ = 	snop;
	(pc) =	sbr.rel @!p5 .LBB2_27-.Ltmp20, $3  }
0xff: {  	_ =	sdelay $0x1  }
0x100: {  	v8 =	vnsel vm1, $0xC0000000, v8;
	s31 =	simm.s32 $0x10  }
0x101: {  	s2 =	sadd.s32 $0xFFFFFFFF, s2;
	s3 =	simm.s32 $0x19E20;
	p1 =	por $0x1, $0x1;
	(xrf0) =	vmin.scan.msk.u32 $0xffff, v8;
	v8 =	vxor.u32 s31, v4;
	vm1 =	veq.f32 v9, v7  }
0x102: {  	_ = 	snop  }
0x103: {  	v9 =	vld [tilespmem:s3+$0x0];
	p5 =	sne.s32 s2, $0x1  }
.Ltmp21:
0x104: {  	_ = 	snop;
	(pc) =	sbr.rel @!p5 .LBB2_29-.Ltmp21, $3  }
0x105: {  	_ =	sdelay $0x1  }
0x106: {  	v8 =	vnsel vm1, $0xC0000000, v8;
	s31 =	simm.s32 $0x20;
	v10, _, _ =	vpop (xrf0)  }
0x107: {  	s2 =	sadd.s32 $0xFFFFFFFF, s2;
	s3 =	simm.s32 $0x19E30;
	p2 =	por $0x1, $0x1;
	(xrf0) =	vmin.scan.msk.u32 $0xffff, v8;
	vm1 =	veq.f32 v9, v7;
	v8 =	vxor.u32 s31, v4;
	(v2sf) =	vpush v10, $0xF  }
0x108: {  	_ =	sdelay $0x4  }
0x109: {  	v10, _, _ =	vpop (xrf0)  }
0x10a: {  	(v2sf) =	vpush v10, $0xF;
	_ =	sdelay $0x2  }
0x10b: {  	v9 =	vld [tilespmem:s3+$0x0];
	p5 =	sne.s32 s2, $0x1  }
.Ltmp22:
0x10c: {  	_ = 	snop;
	(pc) =	sbr.rel @!p5 .LBB2_31-.Ltmp22, $3  }
0x10d: {  	_ =	sdelay $0x1  }
0x10e: {  	v8 =	vnsel vm1, $0xC0000000, v8;
	s31 =	simm.s32 $0x30  }
0x10f: {  	s2 =	sadd.s32 $0xFFFFFFFF, s2;
	s3 =	simm.s32 $0x19E40;
	p3 =	por $0x1, $0x1;
	(xrf0) =	vmin.scan.msk.u32 $0xffff, v8;
	vm1 =	veq.f32 v9, v7;
	v8 =	vxor.u32 s31, v4  }
0x110: {  	_ =	sdelay $0x4  }
0x111: {  	v10, _, _ =	vpop (xrf0)  }
0x112: {  	(v2sf) =	vpush v10, $0xF;
	_ =	sdelay $0x2  }
0x113: {  	v9 =	vld [tilespmem:s3+$0x0];
	p5 =	sne.s32 s2, $0x1  }
.Ltmp23:
0x114: {  	v8 =	vnsel vm1, $0xC0000000, v8;
	(pc) =	sbr.rel @!p5 .LBB2_33-.Ltmp23, $3  }
0x115: {  	(xrf0) =	vmin.scan.msk.u32 $0xffff, v8;
	_ =	sdelay $0x1  }
0x116: {  	s8 =	sadd.s32 $0xFFFFFFFF, s2;
	s9 =	simm.s32 $0x40;
	s11 =	simm.s32 $0x19E50  }
0x117: {  	s3 =	spop (v2sf);
	p4 =	por $0x1, $0x1;
	s2 =	simm.s32 $0x40000000;
	vm1 =	veq.f32 v9, v7;
	v8 =	vxor.u32 s9, v4  }
.LBB2_34:
0x118: {  	s19 =	smov.u32 s2  }
0x119: {  	p5 =	sne.s32 s8, $0x1;
	s8 =	sadd.s32 $0xFFFFFFFF, s8;
	v10 =	vnsel vm1, $0xC0000000, v8;
	s2 =	sxor.u32 $0x80000000, s3;
	v9 =	vld [tilespmem:s11+$0x0]  }
.Ltmp24:
0x11a: {  	p6 =	slt.s32 s19, s2;
	(xrf0) =	vmin.scan.msk.u32 $0xffff, v10;
	v8, _, _ =	vpop (xrf0);
	(pc) =	sbr.rel @p5 .LBB2_34-.Ltmp24, $3  }
0x11b: {  	s2 =	smov.u32 @p6 s19;
	(v2sf) =	vpush v8, $0xF;
	_ =	sdelay $0x1  }
0x11c: {  	s9 =	sadd.s32 $0x10, s9  }
0x11d: {  	s11 =	sadd.s32 $0x10, s11;
	v8 =	vxor.u32 s9, v4;
	vm1 =	veq.f32 v9, v7;
	s3 =	spop (v2sf)  }
0x11e: {  	_ = 	snop  }
.LBB2_36:
0x11f: {  	v7 =	vnsel vm1, $0xC0000000, v8;
	_ =	sdelay $0x1  }
0x120: {  	(xrf0) =	vmin.scan.msk.u32 $0xffff, v7  }
0x121: {  	v7, _, _ =	vpop @p1 (xrf0)  }
0x122: {  	(v2sf) =	vpush @p1 v7, $0xF;
	_ =	sdelay $0x3  }
0x123: {  	v7, _, _ =	vpop (xrf0)  }
0x124: {  	s3 =	sxor.u32 @p4 $0x80000000, s3;
	(v2sf) =	vpush v7, $0xF  }
0x125: {  	p5 =	slt.s32 @p4 s2, s3  }
0x126: {  	s8 =	spop @p3 (v2sf);
	p5 =	por !p5, !p4  }
0x127: {  	s2 =	smov.u32 @p5 s3;
	s3 =	smov.u32 @p3 s8;
	s8 =	simm.s32 $0x40000000  }
0x128: {  	s8 =	smov.u32 @p4 s2;
	s2 =	sxor.u32 @p3 $0x80000000, s3  }
0x129: {  	p4 =	slt.s32 @p3 s8, s2  }
0x12a: {  	p4 =	por !p4, !p3;
	s3 =	spop @p2 (v2sf)  }
0x12b: {  	s8 =	smov.u32 @p4 s2;
	s2 =	smov.u32 @p2 s3;
	s3 =	simm.s32 $0x40000000  }
0x12c: {  	s3 =	smov.u32 @p3 s8;
	s2 =	sxor.u32 @p2 $0x80000000, s2  }
0x12d: {  	p3 =	slt.s32 @p2 s3, s2  }
0x12e: {  	p3 =	por !p3, !p2;
	s8 =	spop @p1 (v2sf)  }
0x12f: {  	s3 =	smov.u32 @p3 s2;
	s2 =	smov.u32 @p1 s8;
	s8 =	simm.s32 $0x40000000  }
0x130: {  	s8 =	smov.u32 @p2 s3;
	s2 =	sxor.u32 @p1 $0x80000000, s2  }
0x131: {  	p2 =	slt.s32 @p1 s8, s2  }
.Ltmp25:
0x132: {  	p2 =	por !p2, !p1;
	(pc) =	sbr.rel .LBB2_37-.Ltmp25, $4  }
0x133: {  	s31 =	spop (v2sf);
	s8 =	smov.u32 @p2 s2  }
0x134: {  	s2 =	sxor.u32 $0x80000000, s31;
	s0 =	smov.u32 @p1 s8  }
0x135: {  	p1 =	slt.s32 s0, s2  }
0x136: {  	s2 =	smov.u32 @p1 s0  }
.LBB2_25:
.Ltmp26:
0x137: {  	(pc) =	sbr.rel .LBB2_36-.Ltmp26, $2  }
0x138: {  	_ =	sdelay $0x2  }
0x139: {  	s2 =	simm.s32 $0x40000000  }
.LBB2_27:
.Ltmp27:
0x13a: {  	(pc) =	sbr.rel .LBB2_36-.Ltmp27, $2  }
0x13b: {  	_ =	sdelay $0x2  }
0x13c: {  	s2 =	simm.s32 $0x40000000  }
.LBB2_29:
.Ltmp28:
0x13d: {  	(pc) =	sbr.rel .LBB2_36-.Ltmp28, $2  }
0x13e: {  	_ =	sdelay $0x2  }
0x13f: {  	s2 =	simm.s32 $0x40000000  }
.LBB2_31:
.Ltmp29:
0x140: {  	(pc) =	sbr.rel .LBB2_36-.Ltmp29, $2  }
0x141: {  	_ =	sdelay $0x2  }
0x142: {  	s2 =	simm.s32 $0x40000000  }
.LBB2_33:
.Ltmp30:
0x143: {  	(pc) =	sbr.rel .LBB2_36-.Ltmp30, $2  }
0x144: {  	_ =	sdelay $0x2  }
0x145: {  	s2 =	simm.s32 $0x40000000  }
.LBB2_38:
0x146: {  	v6 =	vld [tilespmem:$0x1AF00];
	_ =	sdelay $0x2  }
0x147: {  	v7 =	vld [tilespmem:$0x1AF10];
	_ =	sdelay $0x1  }
0x148: {  	v8 =	vbroadcast v6, $0x0;
	_ =	sdelay $0x1  }
0x149: {  	v6 =	vsub.f32 v6, v8  }
0x14a: {  	v7 =	vsub.f32 v7, v8  }
0x14b: {  	v6 =	vmul.f32 $1.428571410e+01, v6  }
0x14c: {  	v7 =	vmul.f32 $1.428571410e+01, v7  }
0x14d: {  	v6 =	vmul.f32 $1.442695020e+00, v6  }
0x14e: {  	v7 =	vmul.f32 $1.442695020e+00, v7  }
0x14f: {  	(erf) = vpow2.f32 v6  }
0x150: {  	(erf) = vpow2.f32 v7;
	_ =	sdelay $0x7  }
0x151: {  	v6 =	vpop (erf)  }
0x152: {  	v7 =	vpop (erf);
	(xrf2) =	vadd.scan.msk.f32 $0xffff, v6  }
0x153: {  	(xrf2) =	vadd.scan.msk.f32 $0xffff, v7;
	_ =	sdelay $0x8  }
0x154: {  	v60, _, _ =	vpop (xrf2)  }
0x155: {  	(v2sf) =	vpush v60, $0xF;
	v61, _, _ =	vpop (xrf2)  }
0x156: {  	(v2sf) =	vpush v61, $0xF;
	_ =	sdelay $0xa  }
0x157: {  	v62 =	vld [tilespmem:$0x1AF80];
	_ =	sdelay $0x2  }
0x158: {  	s0 =	spop (v2sf)  }
0x159: {  	s2 =	spop (v2sf)  }
0x15a: {  	s0 =	sadd.f32 s2, s0  }
0x15b: {  	v9 =	vld [tilespmem:$0x1AF90]  }
0x15c: {  	s31 =	simm.s32 $0x0;
	v10 =	vmov s0  }
0x15d: {  	v8 =	vld.idx.msk [tilespmem:v62+s31+$0x0], $0xffff;
	(erf) = vrcp.f32 v10;
	_ =	sdelay $0x4  }
0x15e: {  	[tilespmem:$0x1B000] =	vst v8  }
0x15f: {  	v8 =	vld.idx.msk [tilespmem:v9+s31+$0x0], $0xffff;
	_ =	sdelay $0x2  }
0x160: {  	v63 =	vpop (erf)  }
0x161: {  	v6 =	vmul.f32 v63, v6  }
0x162: {  	[tilespmem:$0x1B010] =	vst v8;
	v7 =	vmul.f32 v63, v7  }
0x163: {  	[tilespmem:$0x1B080] =	vst v6  }
0x164: {  	s2 =	simm.s32 $0x0;
	s0 =	simm.s32 $0x40;
	[tilespmem:$0x1B090] =	vst v7  }
.LBB2_39:
0x165: {  	p0 =	sne.s32 s0, $0xFC0;
	[tilespmem:s2+$0x1B100] =	vst v5;
	s2 =	smov.u32 s0;
	s0 =	sadd.s32 $0x40, s0  }
.Ltmp31:
0x166: {  	(pc) =	sbr.rel @p0 .LBB2_39-.Ltmp31, $2  }
0x167: {  	_ =	sdelay $0x2  }
0x168: {  	s2 =	sshra.s32 s2, $0x2  }
0x169: {  	[tilespmem:s2+$0x1B100] =	vst v5  }
0x16a: {  	v6 =	vld [tilespmem:$0x1B000];
	_ =	sdelay $0x4  }
0x16b: {  	v6 =	vadd.s32 $0x1B100, v6  }
0x16c: {  	(v2sf) =	vpush v6, $0x1  }
0x16d: {  	(v2sf) =	vpush v6, $0x0;
	_ =	sdelay $0xd  }
0x16e: {  	s0 =	spop (v2sf)  }
0x16f: {  	v7 =	vld [tilespmem:$0x1B080];
	(v2sf) =	vpush v6, $0x3;
	s25 =	spop (v2sf)  }
0x170: {  	(v2sf) =	vpush v6, $0x2;
	v8 =	vld [tilespmem:s25+$0x0];
	_ =	sdelay $0x3  }
0x171: {  	v9 =	vnsel vm0, $0x0, v7  }
0x172: {  	v8 =	vadd.f32 v8, v9  }
0x173: {  	v10 =	vld [tilespmem:$0x1B010]  }
0x174: {  	v50 =	vld [tilespmem:$0x1B090];
	[tilespmem:s25+$0x0] =	vst v8  }
0x175: {  	v8 =	vld [tilespmem:s0+$0x0];
	_ =	sdelay $0x1  }
0x176: {  	v11 =	vbroadcast v7, $0x1;
	_ =	sdelay $0x1  }
0x177: {  	v11 =	vnsel vm0, $0x0, v11  }
0x178: {  	v8 =	vadd.f32 v8, v11  }
0x179: {  	s26 =	spop (v2sf)  }
0x17a: {  	(v2sf) =	vpush v6, $0x5;
	s28 =	spop (v2sf);
	[tilespmem:s0+$0x0] =	vst v8  }
0x17b: {  	(v2sf) =	vpush v6, $0x4;
	v8 =	vld [tilespmem:s28+$0x0];
	_ =	sdelay $0x1  }
0x17c: {  	v51 =	vbroadcast v7, $0x2;
	_ =	sdelay $0x1  }
0x17d: {  	v11 =	vnsel vm0, $0x0, v51  }
0x17e: {  	v8 =	vadd.f32 v8, v11;
	_ =	sdelay $0x1  }
0x17f: {  	[tilespmem:s28+$0x0] =	vst v8  }
0x180: {  	v8 =	vld [tilespmem:s26+$0x0];
	_ =	sdelay $0x1  }
0x181: {  	v52 =	vbroadcast v7, $0x3;
	_ =	sdelay $0x1  }
0x182: {  	v11 =	vnsel vm0, $0x0, v52  }
0x183: {  	v8 =	vadd.f32 v8, v11  }
0x184: {  	s29 =	spop (v2sf)  }
0x185: {  	(v2sf) =	vpush v6, $0x7;
	s30 =	spop (v2sf);
	[tilespmem:s26+$0x0] =	vst v8  }
0x186: {  	(v2sf) =	vpush v6, $0x6;
	v8 =	vld [tilespmem:s30+$0x0];
	_ =	sdelay $0x1  }
0x187: {  	v53 =	vbroadcast v7, $0x4;
	_ =	sdelay $0x1  }
0x188: {  	v11 =	vnsel vm0, $0x0, v53  }
0x189: {  	v8 =	vadd.f32 v8, v11;
	_ =	sdelay $0x1  }
0x18a: {  	[tilespmem:s30+$0x0] =	vst v8  }
0x18b: {  	v8 =	vld [tilespmem:s29+$0x0];
	_ =	sdelay $0x1  }
0x18c: {  	v54 =	vbroadcast v7, $0x5;
	_ =	sdelay $0x1  }
0x18d: {  	v11 =	vnsel vm0, $0x0, v54  }
0x18e: {  	v8 =	vadd.f32 v8, v11  }
0x18f: {  	s31 =	spop (v2sf)  }
0x190: {  	(v2sf) =	vpush v6, $0x9;
	s3 =	spop (v2sf);
	[tilespmem:s29+$0x0] =	vst v8  }
0x191: {  	(v2sf) =	vpush v6, $0x8;
	v8 =	vld [tilespmem:s3+$0x0];
	_ =	sdelay $0x1  }
0x192: {  	v55 =	vbroadcast v7, $0x6;
	_ =	sdelay $0x1  }
0x193: {  	v11 =	vnsel vm0, $0x0, v55  }
0x194: {  	v8 =	vadd.f32 v8, v11;
	_ =	sdelay $0x1  }
0x195: {  	[tilespmem:s3+$0x0] =	vst v8  }
0x196: {  	v8 =	vld [tilespmem:s31+$0x0];
	_ =	sdelay $0x1  }
0x197: {  	v56 =	vbroadcast v7, $0x7;
	_ =	sdelay $0x1  }
0x198: {  	v11 =	vnsel vm0, $0x0, v56  }
0x199: {  	v8 =	vadd.f32 v8, v11  }
0x19a: {  	s8 =	spop (v2sf)  }
0x19b: {  	(v2sf) =	vpush v6, $0xB;
	s9 =	spop (v2sf);
	[tilespmem:s31+$0x0] =	vst v8  }
0x19c: {  	(v2sf) =	vpush v6, $0xA;
	v8 =	vld [tilespmem:s9+$0x0];
	_ =	sdelay $0x1  }
0x19d: {  	v57 =	vbroadcast v7, $0x8;
	_ =	sdelay $0x1  }
0x19e: {  	v11 =	vnsel vm0, $0x0, v57  }
0x19f: {  	v8 =	vadd.f32 v8, v11;
	_ =	sdelay $0x1  }
0x1a0: {  	[tilespmem:s9+$0x0] =	vst v8  }
0x1a1: {  	v8 =	vld [tilespmem:s8+$0x0];
	_ =	sdelay $0x1  }
0x1a2: {  	v58 =	vbroadcast v7, $0x9;
	_ =	sdelay $0x1  }
0x1a3: {  	v11 =	vnsel vm0, $0x0, v58  }
0x1a4: {  	v8 =	vadd.f32 v8, v11  }
0x1a5: {  	s11 =	spop (v2sf)  }
0x1a6: {  	(v2sf) =	vpush v6, $0xD;
	s19 =	spop (v2sf);
	[tilespmem:s8+$0x0] =	vst v8  }
0x1a7: {  	(v2sf) =	vpush v6, $0xC;
	v8 =	vld [tilespmem:s19+$0x0];
	_ =	sdelay $0x1  }
0x1a8: {  	v59 =	vbroadcast v7, $0xA;
	_ =	sdelay $0x1  }
0x1a9: {  	v11 =	vnsel vm0, $0x0, v59  }
0x1aa: {  	v8 =	vadd.f32 v8, v11;
	_ =	sdelay $0x1  }
0x1ab: {  	[tilespmem:s19+$0x0] =	vst v8  }
0x1ac: {  	v8 =	vld [tilespmem:s11+$0x0];
	_ =	sdelay $0x1  }
0x1ad: {  	v60 =	vbroadcast v7, $0xB;
	_ =	sdelay $0x1  }
0x1ae: {  	v11 =	vnsel vm0, $0x0, v60  }
0x1af: {  	v8 =	vadd.f32 v8, v11  }
0x1b0: {  	s23 =	spop (v2sf)  }
0x1b1: {  	(v2sf) =	vpush v6, $0xF;
	s24 =	spop (v2sf);
	[tilespmem:s11+$0x0] =	vst v8  }
0x1b2: {  	(v2sf) =	vpush v6, $0xE;
	v8 =	vld [tilespmem:s24+$0x0];
	_ =	sdelay $0x1  }
0x1b3: {  	v6 =	vbroadcast v7, $0xC;
	_ =	sdelay $0x1  }
0x1b4: {  	v6 =	vnsel vm0, $0x0, v6  }
0x1b5: {  	v6 =	vadd.f32 v8, v6;
	_ =	sdelay $0x1  }
0x1b6: {  	[tilespmem:s24+$0x0] =	vst v6  }
0x1b7: {  	v6 =	vld [tilespmem:s23+$0x0];
	_ =	sdelay $0x1  }
0x1b8: {  	v61 =	vbroadcast v7, $0xD;
	_ =	sdelay $0x1  }
0x1b9: {  	v8 =	vnsel vm0, $0x0, v61  }
0x1ba: {  	v6 =	vadd.f32 v6, v8  }
0x1bb: {  	v62 =	vadd.s32 $0x1B100, v10;
	s25 =	spop (v2sf)  }
0x1bc: {  	(v2sf) =	vpush v62, $0x1;
	s26 =	spop (v2sf);
	[tilespmem:s23+$0x0] =	vst v6  }
0x1bd: {  	(v2sf) =	vpush v62, $0x0;
	v6 =	vld [tilespmem:s26+$0x0];
	_ =	sdelay $0x1  }
0x1be: {  	v63 =	vbroadcast v7, $0xE;
	_ =	sdelay $0x1  }
0x1bf: {  	v10 =	vnsel vm0, $0x0, v63  }
0x1c0: {  	v6 =	vadd.f32 v6, v10;
	_ =	sdelay $0x1  }
0x1c1: {  	[tilespmem:s26+$0x0] =	vst v6  }
0x1c2: {  	v6 =	vld [tilespmem:s25+$0x0];
	_ =	sdelay $0x1  }
0x1c3: {  	v7 =	vbroadcast v7, $0xF;
	_ =	sdelay $0x1  }
0x1c4: {  	v7 =	vnsel vm0, $0x0, v7  }
0x1c5: {  	v6 =	vadd.f32 v6, v7  }
0x1c6: {  	s28 =	spop (v2sf)  }
0x1c7: {  	(v2sf) =	vpush v62, $0x3;
	s29 =	spop (v2sf);
	[tilespmem:s25+$0x0] =	vst v6  }
0x1c8: {  	(v2sf) =	vpush v62, $0x2;
	v6 =	vld [tilespmem:s29+$0x0];
	_ =	sdelay $0x3  }
0x1c9: {  	v7 =	vnsel vm0, $0x0, v50  }
0x1ca: {  	v6 =	vadd.f32 v6, v7;
	_ =	sdelay $0x1  }
0x1cb: {  	[tilespmem:s29+$0x0] =	vst v6  }
0x1cc: {  	v6 =	vld [tilespmem:s28+$0x0];
	_ =	sdelay $0x1  }
0x1cd: {  	v7 =	vbroadcast v50, $0x1;
	_ =	sdelay $0x1  }
0x1ce: {  	v7 =	vnsel vm0, $0x0, v7  }
0x1cf: {  	v6 =	vadd.f32 v6, v7  }
0x1d0: {  	s30 =	spop (v2sf)  }
0x1d1: {  	s31 =	spop (v2sf);
	[tilespmem:s28+$0x0] =	vst v6  }
0x1d2: {  	v6 =	vld [tilespmem:s31+$0x0];
	_ =	sdelay $0x1  }
0x1d3: {  	v7 =	vbroadcast v50, $0x2;
	_ =	sdelay $0x1  }
0x1d4: {  	v7 =	vnsel vm0, $0x0, v7  }
0x1d5: {  	v6 =	vadd.f32 v6, v7;
	_ =	sdelay $0x1  }
0x1d6: {  	[tilespmem:s31+$0x0] =	vst v6  }
0x1d7: {  	v6 =	vld [tilespmem:s30+$0x0];
	_ =	sdelay $0x1  }
0x1d8: {  	v7 =	vbroadcast v50, $0x3;
	_ =	sdelay $0x1  }
0x1d9: {  	v7 =	vnsel vm0, $0x0, v7  }
0x1da: {  	v6 =	vadd.f32 v6, v7;
	_ =	sdelay $0x1  }
0x1db: {  	s2 =	simm.s32 $0x40;
	s0 =	simm.s32 $0x0;
	[tilespmem:s30+$0x0] =	vst v6  }
.LBB2_41:
0x1dc: {  	p0 =	sne.s32 s2, $0xFC0;
	v6 =	vld [tilespmem:s0+$0x1B100];
	_ =	sdelay $0x3  }
.Ltmp32:
0x1dd: {  	(pc) =	sbr.rel @p0 .LBB2_41-.Ltmp32, $3  }
0x1de: {  	v6 =	vadd.f32 $9.999999740e-06, v6;
	_ =	sdelay $0x1  }
0x1df: {  	v6 =	vmin.f32 v6, $1.000000000e+00  }
0x1e0: {  	[tilespmem:s0+$0x1B100] =	vst v6;
	s0 =	sshra.s32 s2, $0x2;
	s2 =	sadd.s32 $0x40, s2  }
0x1e1: {  	v6 =	vld [tilespmem:s0+$0x1B100];
	_ =	sdelay $0x4  }
0x1e2: {  	s2 =	sshll.u32 s21, $0xD;
	v6 =	vadd.f32 $9.999999740e-06, v6  }
0x1e3: {  	s20 =	sadd.s32 $0x1, s20;
	s2 =	sor.u32 s22, s2  }
0x1e4: {  	p0 =	sne.s32 s20, $0x20;
	s2 =	sshrl.u32 s2, $0x3;
	v6 =	vmin.f32 v6, $1.000000000e+00  }
.Ltmp33:
0x1e5: {  	s31 =	sadd.s32 s7, s2;
	[tilespmem:s0+$0x1B100] =	vst v6;
	(pc) =	sbr.rel @p0 .LBB2_2-.Ltmp33, $4  }
0x1e6: {  	[hbm4b:s31+s12] =	stream.strided.scatter [tilespmem:s17], [sflag:$0x2], $0x400, s13, s12, $0x38;
	[tilespmem:$0x1B580] =	vst v63  }
0x1e7: {  	_ =	swait.ge [sflag:s18], $0x400  }
0x1e8: {  	[sflag:s18] =	ssyncset.done $0x0  }
0x1e9: {  	[sflag:s18] =	ssyncadd.s32 $0xFFFFFC00  }
0x1ea: {  	s2 =	rddreg [dreg:$0x6]  }
0x1eb: {  	s0 =	rddreg [dreg:$0x5];
	s2 =	sadd.s32 $0x1, s2  }
0x1ec: {  	p0 =	sne.s32 s2, s0  }
.Ltmp34:
0x1ed: {  	_ = 	snop;
	(pc) =	sbr.rel @p0 .LBB2_1-.Ltmp34, $1  }
0x1ee: {  	_ =	sdelay $0x3  }
0x1ef: {  	_ =	sfence.sel $0x180000  }
0x1f0: {  	[bflag:$0x0] =	sbarrier.arrive $0xFFFF  }
0x1f1: {  	_ =	strace $0x90000047  }
0x1f2: {  	s0 =	stileid.u32;
	[bflag:$0x2] =	sbarrier.arrive $0xFFFF  }
0x1f3: {  	p0 =	sne.s32 s0, $0x0;
	s0 =	rddreg [dreg:$0x3]  }
0x1f4: {  	s0 =	sadd.s32 @!p0 $0x100000, s0  }
0x1f5: {  	[sflag:s0] =	ssyncadd.tile.s32 @!p0 $0x1;
	_ =	shalt  }
.Lfunc_end2:
_tile_overlayer_lowered:
.L_overlay_start_2:
0x1f6: {  	(tag) =	ssettag $0x2  }
0x1f7: {  	s0 =	rddreg [dreg:$0x0];
	s2 =	stileid.u32  }
0x1f8: {  	s1 =	rddreg [dreg:$0x1];
	p0 =	sne.s32 s2, $0x0  }
0x1f9: {  	s3 =	rddreg [dreg:$0x2];
	[bflag:$0x3] =	sbarrier.arrive $0xFFFF;
	s2 =	simm.s32 @!p0 $0x1C02  }
0x1fa: {  	[timem:s3], [sflag:s2] =	dma.local @!p0 [hbm:s0], s1  }
0x1fb: {  	s0 =	simm.s32 @!p0 $0x2  }
0x1fc: {  	_ =	swait.ge @!p0 [sflag:s0], s1  }
0x1fd: {  	s1 =	ssub.s32 @!p0 $0x0, s1;
	[sflag:s0] =	ssyncset.done @!p0 $0x0  }
0x1fe: {  	[sflag:s0] =	ssyncadd.s32 @!p0 s1  }
0x1ff: {  	[bflag:$0x3] =	sbarrier.arrive $0xFFFF  }
0x200: {  	_ =	shalt  }

</sc_bundles>
